<compile_context>
chip_gen: v7x
topology: tpu7x:2x2x1
jax: 0.10.2.dev20260603
libtpu: 0.0.44.dev20260713+nightly
codegen_flags: <defaults>
</compile_context>

<pallas_src>
import functools

import jax
import jax.numpy as jnp
from jax import lax
from jax.experimental import pallas as pl
from jax.experimental.pallas import tpu as pltpu
from jax.experimental.pallas import tpu_sc as plsc

EXPERT_DIM = 512
NUM_EXPERTS = 246
BATCH = 16384

NUM_CORES = 2
NUM_SUBCORES = 16
NUM_WORKERS = NUM_CORES * NUM_SUBCORES
B_PER_W = BATCH // NUM_WORKERS
CHUNK = 64
NCHUNK = B_PER_W // CHUNK


def _transform_body(table_ref, w_ref, b_ref, out_ref):
    out_ref[...] = lax.dot_general(
        table_ref[...], w_ref[...], (((1,), (1,)), ((), ())),
        preferred_element_type=jnp.float32,
        precision=lax.Precision.HIGHEST,
    ) + b_ref[...]


def _transform(table, W, b):
    return pl.pallas_call(
        _transform_body,
        out_shape=jax.ShapeDtypeStruct((NUM_EXPERTS, EXPERT_DIM), jnp.float32),
    )(table, W, b.reshape(1, EXPERT_DIM))


_MESH = plsc.VectorSubcoreMesh(core_axis_name="c", subcore_axis_name="s")


@functools.partial(
    pl.kernel,
    mesh=_MESH,
    out_type=jax.ShapeDtypeStruct((BATCH, EXPERT_DIM), jnp.float32),
    scratch_types=[
        pltpu.VMEM((B_PER_W,), jnp.int32),
        pltpu.VMEM((CHUNK, EXPERT_DIM), jnp.float32),
        pltpu.VMEM((CHUNK, EXPERT_DIM), jnp.float32),
        pltpu.SemaphoreType.DMA,
        pltpu.SemaphoreType.DMA,
        pltpu.SemaphoreType.DMA,
        pltpu.SemaphoreType.DMA,
    ],
)
def _gather(tab_hbm, idx_hbm, out_hbm, idx_v, rows0, rows1, g0, g1, s0, s1):
    wid = lax.axis_index("s") * NUM_CORES + lax.axis_index("c")
    base = wid * B_PER_W
    pltpu.sync_copy(idx_hbm.at[pl.ds(base, B_PER_W)], idx_v)
    bufs, gsem, ssem = (rows0, rows1), (g0, g1), (s0, s1)

    def start_gather(c, buf, sem):
        return pltpu.async_copy(
            tab_hbm.at[idx_v.at[pl.ds(c * CHUNK, CHUNK)]], buf, sem
        )

    def start_store(c, buf, sem):
        return pltpu.async_copy(
            buf, out_hbm.at[pl.ds(base + c * CHUNK, CHUNK)], sem
        )

    sh = [None, None]
    for c in range(NCHUNK):
        cur = c & 1
        if sh[cur] is not None:
            sh[cur].wait()
            sh[cur] = None
        start_gather(c, bufs[cur], gsem[cur]).wait()
        sh[cur] = start_store(c, bufs[cur], ssem[cur])
    for h in sh:
        if h is not None:
            h.wait()


def kernel(expert_id, table, W, b):
    t = _transform(table, W, b)
    return _gather(t, expert_id.astype(jnp.int32))

# --- scband reference (transcript-rebuilt; emitter-appended) ---
"""Pipeline reference for scband-expert-encoder-3341484556350 (READ-ONLY COPY).

The authoritative reference and input builder live on the scoring server;
editing this copy changes nothing except your own understanding.
"""

import jax, jax.numpy as jnp
import numpy as np

EXPERT_DIM = 512
NUM_EXPERTS = 246
BATCH = 16384

def setup_inputs(seed: int = 0) -> dict:
    key = jax.random.key(seed)
    k1, k2, k3, k4 = jax.random.split(key, 4)
    expert_id = jax.random.randint(k1, (BATCH,), 0, NUM_EXPERTS, dtype=jnp.int64 if jax.config.read('jax_enable_x64') else jnp.int32)
    table = jax.random.normal(k2, (NUM_EXPERTS, EXPERT_DIM), dtype=jnp.float32)
    W = jax.random.normal(k3, (EXPERT_DIM, EXPERT_DIM), dtype=jnp.float32) * (1.0 / np.sqrt(EXPERT_DIM))
    b = jax.random.normal(k4, (EXPERT_DIM,), dtype=jnp.float32) * 0.01
    return {"expert_id": expert_id, "table": table, "W": W, "b": b}

def reference(expert_id, table, W, b):
    # nn.Embedding lookup
    expert_embed = jnp.take(table, expert_id, axis=0)  # [B, expert_dim]
    # nn.Linear: y = x @ W^T + b
    out = expert_embed @ W.T + b
    return out

if __name__ == "__main__":
    import jax
    _d = setup_inputs()
    print(jax.jit(kernel)(*tuple(_d.values())))

</pallas_src>

<mosaic_0001>
#map = affine_map<(d0, d1) -> (0, 0)>
#map1 = affine_map<(d0, d1) -> (0)>
module attributes {stable_mosaic.version = 14 : i64} {
  func.func @_gather(%arg0: i32, %arg1: i32, %arg2: memref<246x512xf32, #tpu.memory_space<hbm>>, %arg3: memref<16384xi32, #tpu.memory_space<hbm>>, %arg4: memref<16384x512xf32, #tpu.memory_space<hbm>>, %arg5: memref<512xi32, #tpu.memory_space<vmem>>, %arg6: memref<64x512xf32, #tpu.memory_space<vmem>>, %arg7: memref<64x512xf32, #tpu.memory_space<vmem>>, %arg8: memref<!tpu.dma_semaphore, #tpu.memory_space<semaphore_mem>>, %arg9: memref<!tpu.dma_semaphore, #tpu.memory_space<semaphore_mem>>, %arg10: memref<!tpu.dma_semaphore, #tpu.memory_space<semaphore_mem>>, %arg11: memref<!tpu.dma_semaphore, #tpu.memory_space<semaphore_mem>>) attributes {dimension_semantics = [#tpu.dimension_semantics<core_parallel>, #tpu.dimension_semantics<subcore_parallel>], iteration_bounds = array<i64: 2, 16>, scalar_prefetch = 0 : i64, scratch_operands = 7 : i64, tpu.core_type = #tpu.core_type<sc_vector_subcore>, window_params = [{transform_indices = #map}, {transform_indices = #map1}, {transform_indices = #map}]} {
    %mul3A = arith.constant 2 : i32
    %mul3A_0 = arith.muli %arg1, %mul3A : i32
    %add3A = arith.addi %mul3A_0, %arg0 : i32
    %mul3A_1 = arith.constant 512 : i32
    %mul3A_2 = arith.muli %add3A, %mul3A_1 : i32
    "tpu.region"() ({
      %run_scoped3A = tpu.sem_alloc : memref<!tpu.dma_semaphore, #tpu.memory_space<semaphore_mem>>
      %dma_start3A_161 = tpu.memref_slice %arg3[%mul3A_2] : memref<16384xi32, #tpu.memory_space<hbm>> -> memref<512xi32, #tpu.memory_space<hbm>>
      %dma_start3A_162 = tpu.memref_slice %arg3[%mul3A_2] : memref<16384xi32, #tpu.memory_space<hbm>> -> memref<512xi32, #tpu.memory_space<hbm>>
      tpu.enqueue_dma source(%dma_start3A_162 : memref<512xi32, #tpu.memory_space<hbm>>) target(%arg5 : memref<512xi32, #tpu.memory_space<vmem>>) target_semaphore(%run_scoped3A : memref<!tpu.dma_semaphore, #tpu.memory_space<semaphore_mem>>)
      %dma_wait3A_163 = tpu.memref_slice %arg3[%mul3A_2] : memref<16384xi32, #tpu.memory_space<hbm>> -> memref<512xi32, #tpu.memory_space<hbm>>
      %dma_wait3A_164 = tpu.memref_slice %arg3[%mul3A_2] : memref<16384xi32, #tpu.memory_space<hbm>> -> memref<512xi32, #tpu.memory_space<hbm>>
      tpu.wait_dma2 semaphore(%run_scoped3A : memref<!tpu.dma_semaphore, #tpu.memory_space<semaphore_mem>>) src(%dma_wait3A_164 : memref<512xi32, #tpu.memory_space<hbm>>) dst(%arg5 : memref<512xi32, #tpu.memory_space<vmem>>)
      tpu.yield
    }) : () -> ()
    %dma_start3A = arith.constant 0 : i32
    %dma_start3A_3 = tpu.memref_slice %arg5[%dma_start3A] : memref<512xi32, #tpu.memory_space<vmem>> -> memref<64xi32, #tpu.memory_space<vmem>>
    %dma_start3A_4 = arith.constant 0 : i32
    %dma_start3A_5 = arith.constant 0 : i32
    %dma_start3A_6 = tpu.memref_slice %arg2[%dma_start3A_4, %dma_start3A_5] : memref<246x512xf32, #tpu.memory_space<hbm>> -> memref<246x512xf32, #tpu.memory_space<hbm>>
    tpu.enqueue_indirect_dma source(%dma_start3A_6 : memref<246x512xf32, #tpu.memory_space<hbm>>) target(%arg6 : memref<64x512xf32, #tpu.memory_space<vmem>>) offsets(%dma_start3A_3 : memref<64xi32, #tpu.memory_space<vmem>>) semaphore(%arg8 : memref<!tpu.dma_semaphore, #tpu.memory_space<semaphore_mem>>)
    %dma_wait3A = arith.constant 0 : i32
    %dma_wait3A_7 = tpu.memref_slice %arg5[%dma_wait3A] : memref<512xi32, #tpu.memory_space<vmem>> -> memref<64xi32, #tpu.memory_space<vmem>>
    %dma_wait3A_8 = arith.constant 0 : i32
    %dma_wait3A_9 = arith.constant 0 : i32
    %dma_wait3A_10 = tpu.memref_slice %arg2[%dma_wait3A_8, %dma_wait3A_9] : memref<246x512xf32, #tpu.memory_space<hbm>> -> memref<246x512xf32, #tpu.memory_space<hbm>>
    tpu.wait_indirect_dma semaphore(%arg8 : memref<!tpu.dma_semaphore, #tpu.memory_space<semaphore_mem>>) src(%dma_wait3A_10 : memref<246x512xf32, #tpu.memory_space<hbm>>) dst(%arg6 : memref<64x512xf32, #tpu.memory_space<vmem>>)
    %add3A_11 = arith.constant 0 : i32
    %add3A_12 = arith.addi %mul3A_2, %add3A_11 : i32
    %dma_start3A_13 = arith.constant 0 : i32
    %dma_start3A_14 = tpu.memref_slice %arg4[%add3A_12, %dma_start3A_13] : memref<16384x512xf32, #tpu.memory_space<hbm>> -> memref<64x512xf32, #tpu.memory_space<hbm>>
    %dma_start3A_15 = arith.constant 0 : i32
    %dma_start3A_16 = tpu.memref_slice %arg4[%add3A_12, %dma_start3A_15] : memref<16384x512xf32, #tpu.memory_space<hbm>> -> memref<64x512xf32, #tpu.memory_space<hbm>>
    tpu.enqueue_dma source(%arg6 : memref<64x512xf32, #tpu.memory_space<vmem>>) target(%dma_start3A_16 : memref<64x512xf32, #tpu.memory_space<hbm>>) target_semaphore(%arg10 : memref<!tpu.dma_semaphore, #tpu.memory_space<semaphore_mem>>)
    %dma_start3A_17 = arith.constant 64 : i32
    %dma_start3A_18 = tpu.memref_slice %arg5[%dma_start3A_17] : memref<512xi32, #tpu.memory_space<vmem>> -> memref<64xi32, #tpu.memory_space<vmem>>
    %dma_start3A_19 = arith.constant 0 : i32
    %dma_start3A_20 = arith.constant 0 : i32
    %dma_start3A_21 = tpu.memref_slice %arg2[%dma_start3A_19, %dma_start3A_20] : memref<246x512xf32, #tpu.memory_space<hbm>> -> memref<246x512xf32, #tpu.memory_space<hbm>>
    tpu.enqueue_indirect_dma source(%dma_start3A_21 : memref<246x512xf32, #tpu.memory_space<hbm>>) target(%arg7 : memref<64x512xf32, #tpu.memory_space<vmem>>) offsets(%dma_start3A_18 : memref<64xi32, #tpu.memory_space<vmem>>) semaphore(%arg9 : memref<!tpu.dma_semaphore, #tpu.memory_space<semaphore_mem>>)
    %dma_wait3A_22 = arith.constant 64 : i32
    %dma_wait3A_23 = tpu.memref_slice %arg5[%dma_wait3A_22] : memref<512xi32, #tpu.memory_space<vmem>> -> memref<64xi32, #tpu.memory_space<vmem>>
    %dma_wait3A_24 = arith.constant 0 : i32
    %dma_wait3A_25 = arith.constant 0 : i32
    %dma_wait3A_26 = tpu.memref_slice %arg2[%dma_wait3A_24, %dma_wait3A_25] : memref<246x512xf32, #tpu.memory_space<hbm>> -> memref<246x512xf32, #tpu.memory_space<hbm>>
    tpu.wait_indirect_dma semaphore(%arg9 : memref<!tpu.dma_semaphore, #tpu.memory_space<semaphore_mem>>) src(%dma_wait3A_26 : memref<246x512xf32, #tpu.memory_space<hbm>>) dst(%arg7 : memref<64x512xf32, #tpu.memory_space<vmem>>)
    %add3A_27 = arith.constant 64 : i32
    %add3A_28 = arith.addi %mul3A_2, %add3A_27 : i32
    %dma_start3A_29 = arith.constant 0 : i32
    %dma_start3A_30 = tpu.memref_slice %arg4[%add3A_28, %dma_start3A_29] : memref<16384x512xf32, #tpu.memory_space<hbm>> -> memref<64x512xf32, #tpu.memory_space<hbm>>
    %dma_start3A_31 = arith.constant 0 : i32
    %dma_start3A_32 = tpu.memref_slice %arg4[%add3A_28, %dma_start3A_31] : memref<16384x512xf32, #tpu.memory_space<hbm>> -> memref<64x512xf32, #tpu.memory_space<hbm>>
    tpu.enqueue_dma source(%arg7 : memref<64x512xf32, #tpu.memory_space<vmem>>) target(%dma_start3A_32 : memref<64x512xf32, #tpu.memory_space<hbm>>) target_semaphore(%arg11 : memref<!tpu.dma_semaphore, #tpu.memory_space<semaphore_mem>>)
    %dma_wait3A_33 = arith.constant 0 : i32
    %dma_wait3A_34 = tpu.memref_slice %arg4[%add3A_12, %dma_wait3A_33] : memref<16384x512xf32, #tpu.memory_space<hbm>> -> memref<64x512xf32, #tpu.memory_space<hbm>>
    %dma_wait3A_35 = arith.constant 0 : i32
    %dma_wait3A_36 = tpu.memref_slice %arg4[%add3A_12, %dma_wait3A_35] : memref<16384x512xf32, #tpu.memory_space<hbm>> -> memref<64x512xf32, #tpu.memory_space<hbm>>
    tpu.wait_dma2 semaphore(%arg10 : memref<!tpu.dma_semaphore, #tpu.memory_space<semaphore_mem>>) src(%arg6 : memref<64x512xf32, #tpu.memory_space<vmem>>) dst(%dma_wait3A_36 : memref<64x512xf32, #tpu.memory_space<hbm>>)
    %dma_start3A_37 = arith.constant 128 : i32
    %dma_start3A_38 = tpu.memref_slice %arg5[%dma_start3A_37] : memref<512xi32, #tpu.memory_space<vmem>> -> memref<64xi32, #tpu.memory_space<vmem>>
    %dma_start3A_39 = arith.constant 0 : i32
    %dma_start3A_40 = arith.constant 0 : i32
    %dma_start3A_41 = tpu.memref_slice %arg2[%dma_start3A_39, %dma_start3A_40] : memref<246x512xf32, #tpu.memory_space<hbm>> -> memref<246x512xf32, #tpu.memory_space<hbm>>
    tpu.enqueue_indirect_dma source(%dma_start3A_41 : memref<246x512xf32, #tpu.memory_space<hbm>>) target(%arg6 : memref<64x512xf32, #tpu.memory_space<vmem>>) offsets(%dma_start3A_38 : memref<64xi32, #tpu.memory_space<vmem>>) semaphore(%arg8 : memref<!tpu.dma_semaphore, #tpu.memory_space<semaphore_mem>>)
    %dma_wait3A_42 = arith.constant 128 : i32
    %dma_wait3A_43 = tpu.memref_slice %arg5[%dma_wait3A_42] : memref<512xi32, #tpu.memory_space<vmem>> -> memref<64xi32, #tpu.memory_space<vmem>>
    %dma_wait3A_44 = arith.constant 0 : i32
    %dma_wait3A_45 = arith.constant 0 : i32
    %dma_wait3A_46 = tpu.memref_slice %arg2[%dma_wait3A_44, %dma_wait3A_45] : memref<246x512xf32, #tpu.memory_space<hbm>> -> memref<246x512xf32, #tpu.memory_space<hbm>>
    tpu.wait_indirect_dma semaphore(%arg8 : memref<!tpu.dma_semaphore, #tpu.memory_space<semaphore_mem>>) src(%dma_wait3A_46 : memref<246x512xf32, #tpu.memory_space<hbm>>) dst(%arg6 : memref<64x512xf32, #tpu.memory_space<vmem>>)
    %add3A_47 = arith.constant 128 : i32
    %add3A_48 = arith.addi %mul3A_2, %add3A_47 : i32
    %dma_start3A_49 = arith.constant 0 : i32
    %dma_start3A_50 = tpu.memref_slice %arg4[%add3A_48, %dma_start3A_49] : memref<16384x512xf32, #tpu.memory_space<hbm>> -> memref<64x512xf32, #tpu.memory_space<hbm>>
    %dma_start3A_51 = arith.constant 0 : i32
    %dma_start3A_52 = tpu.memref_slice %arg4[%add3A_48, %dma_start3A_51] : memref<16384x512xf32, #tpu.memory_space<hbm>> -> memref<64x512xf32, #tpu.memory_space<hbm>>
    tpu.enqueue_dma source(%arg6 : memref<64x512xf32, #tpu.memory_space<vmem>>) target(%dma_start3A_52 : memref<64x512xf32, #tpu.memory_space<hbm>>) target_semaphore(%arg10 : memref<!tpu.dma_semaphore, #tpu.memory_space<semaphore_mem>>)
    %dma_wait3A_53 = arith.constant 0 : i32
    %dma_wait3A_54 = tpu.memref_slice %arg4[%add3A_28, %dma_wait3A_53] : memref<16384x512xf32, #tpu.memory_space<hbm>> -> memref<64x512xf32, #tpu.memory_space<hbm>>
    %dma_wait3A_55 = arith.constant 0 : i32
    %dma_wait3A_56 = tpu.memref_slice %arg4[%add3A_28, %dma_wait3A_55] : memref<16384x512xf32, #tpu.memory_space<hbm>> -> memref<64x512xf32, #tpu.memory_space<hbm>>
    tpu.wait_dma2 semaphore(%arg11 : memref<!tpu.dma_semaphore, #tpu.memory_space<semaphore_mem>>) src(%arg7 : memref<64x512xf32, #tpu.memory_space<vmem>>) dst(%dma_wait3A_56 : memref<64x512xf32, #tpu.memory_space<hbm>>)
    %dma_start3A_57 = arith.constant 192 : i32
    %dma_start3A_58 = tpu.memref_slice %arg5[%dma_start3A_57] : memref<512xi32, #tpu.memory_space<vmem>> -> memref<64xi32, #tpu.memory_space<vmem>>
    %dma_start3A_59 = arith.constant 0 : i32
    %dma_start3A_60 = arith.constant 0 : i32
    %dma_start3A_61 = tpu.memref_slice %arg2[%dma_start3A_59, %dma_start3A_60] : memref<246x512xf32, #tpu.memory_space<hbm>> -> memref<246x512xf32, #tpu.memory_space<hbm>>
    tpu.enqueue_indirect_dma source(%dma_start3A_61 : memref<246x512xf32, #tpu.memory_space<hbm>>) target(%arg7 : memref<64x512xf32, #tpu.memory_space<vmem>>) offsets(%dma_start3A_58 : memref<64xi32, #tpu.memory_space<vmem>>) semaphore(%arg9 : memref<!tpu.dma_semaphore, #tpu.memory_space<semaphore_mem>>)
    %dma_wait3A_62 = arith.constant 192 : i32
    %dma_wait3A_63 = tpu.memref_slice %arg5[%dma_wait3A_62] : memref<512xi32, #tpu.memory_space<vmem>> -> memref<64xi32, #tpu.memory_space<vmem>>
    %dma_wait3A_64 = arith.constant 0 : i32
    %dma_wait3A_65 = arith.constant 0 : i32
    %dma_wait3A_66 = tpu.memref_slice %arg2[%dma_wait3A_64, %dma_wait3A_65] : memref<246x512xf32, #tpu.memory_space<hbm>> -> memref<246x512xf32, #tpu.memory_space<hbm>>
    tpu.wait_indirect_dma semaphore(%arg9 : memref<!tpu.dma_semaphore, #tpu.memory_space<semaphore_mem>>) src(%dma_wait3A_66 : memref<246x512xf32, #tpu.memory_space<hbm>>) dst(%arg7 : memref<64x512xf32, #tpu.memory_space<vmem>>)
    %add3A_67 = arith.constant 192 : i32
    %add3A_68 = arith.addi %mul3A_2, %add3A_67 : i32
    %dma_start3A_69 = arith.constant 0 : i32
    %dma_start3A_70 = tpu.memref_slice %arg4[%add3A_68, %dma_start3A_69] : memref<16384x512xf32, #tpu.memory_space<hbm>> -> memref<64x512xf32, #tpu.memory_space<hbm>>
    %dma_start3A_71 = arith.constant 0 : i32
    %dma_start3A_72 = tpu.memref_slice %arg4[%add3A_68, %dma_start3A_71] : memref<16384x512xf32, #tpu.memory_space<hbm>> -> memref<64x512xf32, #tpu.memory_space<hbm>>
    tpu.enqueue_dma source(%arg7 : memref<64x512xf32, #tpu.memory_space<vmem>>) target(%dma_start3A_72 : memref<64x512xf32, #tpu.memory_space<hbm>>) target_semaphore(%arg11 : memref<!tpu.dma_semaphore, #tpu.memory_space<semaphore_mem>>)
    %dma_wait3A_73 = arith.constant 0 : i32
    %dma_wait3A_74 = tpu.memref_slice %arg4[%add3A_48, %dma_wait3A_73] : memref<16384x512xf32, #tpu.memory_space<hbm>> -> memref<64x512xf32, #tpu.memory_space<hbm>>
    %dma_wait3A_75 = arith.constant 0 : i32
    %dma_wait3A_76 = tpu.memref_slice %arg4[%add3A_48, %dma_wait3A_75] : memref<16384x512xf32, #tpu.memory_space<hbm>> -> memref<64x512xf32, #tpu.memory_space<hbm>>
    tpu.wait_dma2 semaphore(%arg10 : memref<!tpu.dma_semaphore, #tpu.memory_space<semaphore_mem>>) src(%arg6 : memref<64x512xf32, #tpu.memory_space<vmem>>) dst(%dma_wait3A_76 : memref<64x512xf32, #tpu.memory_space<hbm>>)
    %dma_start3A_77 = arith.constant 256 : i32
    %dma_start3A_78 = tpu.memref_slice %arg5[%dma_start3A_77] : memref<512xi32, #tpu.memory_space<vmem>> -> memref<64xi32, #tpu.memory_space<vmem>>
    %dma_start3A_79 = arith.constant 0 : i32
    %dma_start3A_80 = arith.constant 0 : i32
    %dma_start3A_81 = tpu.memref_slice %arg2[%dma_start3A_79, %dma_start3A_80] : memref<246x512xf32, #tpu.memory_space<hbm>> -> memref<246x512xf32, #tpu.memory_space<hbm>>
    tpu.enqueue_indirect_dma source(%dma_start3A_81 : memref<246x512xf32, #tpu.memory_space<hbm>>) target(%arg6 : memref<64x512xf32, #tpu.memory_space<vmem>>) offsets(%dma_start3A_78 : memref<64xi32, #tpu.memory_space<vmem>>) semaphore(%arg8 : memref<!tpu.dma_semaphore, #tpu.memory_space<semaphore_mem>>)
    %dma_wait3A_82 = arith.constant 256 : i32
    %dma_wait3A_83 = tpu.memref_slice %arg5[%dma_wait3A_82] : memref<512xi32, #tpu.memory_space<vmem>> -> memref<64xi32, #tpu.memory_space<vmem>>
    %dma_wait3A_84 = arith.constant 0 : i32
    %dma_wait3A_85 = arith.constant 0 : i32
    %dma_wait3A_86 = tpu.memref_slice %arg2[%dma_wait3A_84, %dma_wait3A_85] : memref<246x512xf32, #tpu.memory_space<hbm>> -> memref<246x512xf32, #tpu.memory_space<hbm>>
    tpu.wait_indirect_dma semaphore(%arg8 : memref<!tpu.dma_semaphore, #tpu.memory_space<semaphore_mem>>) src(%dma_wait3A_86 : memref<246x512xf32, #tpu.memory_space<hbm>>) dst(%arg6 : memref<64x512xf32, #tpu.memory_space<vmem>>)
    %add3A_87 = arith.constant 256 : i32
    %add3A_88 = arith.addi %mul3A_2, %add3A_87 : i32
    %dma_start3A_89 = arith.constant 0 : i32
    %dma_start3A_90 = tpu.memref_slice %arg4[%add3A_88, %dma_start3A_89] : memref<16384x512xf32, #tpu.memory_space<hbm>> -> memref<64x512xf32, #tpu.memory_space<hbm>>
    %dma_start3A_91 = arith.constant 0 : i32
    %dma_start3A_92 = tpu.memref_slice %arg4[%add3A_88, %dma_start3A_91] : memref<16384x512xf32, #tpu.memory_space<hbm>> -> memref<64x512xf32, #tpu.memory_space<hbm>>
    tpu.enqueue_dma source(%arg6 : memref<64x512xf32, #tpu.memory_space<vmem>>) target(%dma_start3A_92 : memref<64x512xf32, #tpu.memory_space<hbm>>) target_semaphore(%arg10 : memref<!tpu.dma_semaphore, #tpu.memory_space<semaphore_mem>>)
    %dma_wait3A_93 = arith.constant 0 : i32
    %dma_wait3A_94 = tpu.memref_slice %arg4[%add3A_68, %dma_wait3A_93] : memref<16384x512xf32, #tpu.memory_space<hbm>> -> memref<64x512xf32, #tpu.memory_space<hbm>>
    %dma_wait3A_95 = arith.constant 0 : i32
    %dma_wait3A_96 = tpu.memref_slice %arg4[%add3A_68, %dma_wait3A_95] : memref<16384x512xf32, #tpu.memory_space<hbm>> -> memref<64x512xf32, #tpu.memory_space<hbm>>
    tpu.wait_dma2 semaphore(%arg11 : memref<!tpu.dma_semaphore, #tpu.memory_space<semaphore_mem>>) src(%arg7 : memref<64x512xf32, #tpu.memory_space<vmem>>) dst(%dma_wait3A_96 : memref<64x512xf32, #tpu.memory_space<hbm>>)
    %dma_start3A_97 = arith.constant 320 : i32
    %dma_start3A_98 = tpu.memref_slice %arg5[%dma_start3A_97] : memref<512xi32, #tpu.memory_space<vmem>> -> memref<64xi32, #tpu.memory_space<vmem>>
    %dma_start3A_99 = arith.constant 0 : i32
    %dma_start3A_100 = arith.constant 0 : i32
    %dma_start3A_101 = tpu.memref_slice %arg2[%dma_start3A_99, %dma_start3A_100] : memref<246x512xf32, #tpu.memory_space<hbm>> -> memref<246x512xf32, #tpu.memory_space<hbm>>
    tpu.enqueue_indirect_dma source(%dma_start3A_101 : memref<246x512xf32, #tpu.memory_space<hbm>>) target(%arg7 : memref<64x512xf32, #tpu.memory_space<vmem>>) offsets(%dma_start3A_98 : memref<64xi32, #tpu.memory_space<vmem>>) semaphore(%arg9 : memref<!tpu.dma_semaphore, #tpu.memory_space<semaphore_mem>>)
    %dma_wait3A_102 = arith.constant 320 : i32
    %dma_wait3A_103 = tpu.memref_slice %arg5[%dma_wait3A_102] : memref<512xi32, #tpu.memory_space<vmem>> -> memref<64xi32, #tpu.memory_space<vmem>>
    %dma_wait3A_104 = arith.constant 0 : i32
    %dma_wait3A_105 = arith.constant 0 : i32
    %dma_wait3A_106 = tpu.memref_slice %arg2[%dma_wait3A_104, %dma_wait3A_105] : memref<246x512xf32, #tpu.memory_space<hbm>> -> memref<246x512xf32, #tpu.memory_space<hbm>>
    tpu.wait_indirect_dma semaphore(%arg9 : memref<!tpu.dma_semaphore, #tpu.memory_space<semaphore_mem>>) src(%dma_wait3A_106 : memref<246x512xf32, #tpu.memory_space<hbm>>) dst(%arg7 : memref<64x512xf32, #tpu.memory_space<vmem>>)
    %add3A_107 = arith.constant 320 : i32
    %add3A_108 = arith.addi %mul3A_2, %add3A_107 : i32
    %dma_start3A_109 = arith.constant 0 : i32
    %dma_start3A_110 = tpu.memref_slice %arg4[%add3A_108, %dma_start3A_109] : memref<16384x512xf32, #tpu.memory_space<hbm>> -> memref<64x512xf32, #tpu.memory_space<hbm>>
    %dma_start3A_111 = arith.constant 0 : i32
    %dma_start3A_112 = tpu.memref_slice %arg4[%add3A_108, %dma_start3A_111] : memref<16384x512xf32, #tpu.memory_space<hbm>> -> memref<64x512xf32, #tpu.memory_space<hbm>>
    tpu.enqueue_dma source(%arg7 : memref<64x512xf32, #tpu.memory_space<vmem>>) target(%dma_start3A_112 : memref<64x512xf32, #tpu.memory_space<hbm>>) target_semaphore(%arg11 : memref<!tpu.dma_semaphore, #tpu.memory_space<semaphore_mem>>)
    %dma_wait3A_113 = arith.constant 0 : i32
    %dma_wait3A_114 = tpu.memref_slice %arg4[%add3A_88, %dma_wait3A_113] : memref<16384x512xf32, #tpu.memory_space<hbm>> -> memref<64x512xf32, #tpu.memory_space<hbm>>
    %dma_wait3A_115 = arith.constant 0 : i32
    %dma_wait3A_116 = tpu.memref_slice %arg4[%add3A_88, %dma_wait3A_115] : memref<16384x512xf32, #tpu.memory_space<hbm>> -> memref<64x512xf32, #tpu.memory_space<hbm>>
    tpu.wait_dma2 semaphore(%arg10 : memref<!tpu.dma_semaphore, #tpu.memory_space<semaphore_mem>>) src(%arg6 : memref<64x512xf32, #tpu.memory_space<vmem>>) dst(%dma_wait3A_116 : memref<64x512xf32, #tpu.memory_space<hbm>>)
    %dma_start3A_117 = arith.constant 384 : i32
    %dma_start3A_118 = tpu.memref_slice %arg5[%dma_start3A_117] : memref<512xi32, #tpu.memory_space<vmem>> -> memref<64xi32, #tpu.memory_space<vmem>>
    %dma_start3A_119 = arith.constant 0 : i32
    %dma_start3A_120 = arith.constant 0 : i32
    %dma_start3A_121 = tpu.memref_slice %arg2[%dma_start3A_119, %dma_start3A_120] : memref<246x512xf32, #tpu.memory_space<hbm>> -> memref<246x512xf32, #tpu.memory_space<hbm>>
    tpu.enqueue_indirect_dma source(%dma_start3A_121 : memref<246x512xf32, #tpu.memory_space<hbm>>) target(%arg6 : memref<64x512xf32, #tpu.memory_space<vmem>>) offsets(%dma_start3A_118 : memref<64xi32, #tpu.memory_space<vmem>>) semaphore(%arg8 : memref<!tpu.dma_semaphore, #tpu.memory_space<semaphore_mem>>)
    %dma_wait3A_122 = arith.constant 384 : i32
    %dma_wait3A_123 = tpu.memref_slice %arg5[%dma_wait3A_122] : memref<512xi32, #tpu.memory_space<vmem>> -> memref<64xi32, #tpu.memory_space<vmem>>
    %dma_wait3A_124 = arith.constant 0 : i32
    %dma_wait3A_125 = arith.constant 0 : i32
    %dma_wait3A_126 = tpu.memref_slice %arg2[%dma_wait3A_124, %dma_wait3A_125] : memref<246x512xf32, #tpu.memory_space<hbm>> -> memref<246x512xf32, #tpu.memory_space<hbm>>
    tpu.wait_indirect_dma semaphore(%arg8 : memref<!tpu.dma_semaphore, #tpu.memory_space<semaphore_mem>>) src(%dma_wait3A_126 : memref<246x512xf32, #tpu.memory_space<hbm>>) dst(%arg6 : memref<64x512xf32, #tpu.memory_space<vmem>>)
    %add3A_127 = arith.constant 384 : i32
    %add3A_128 = arith.addi %mul3A_2, %add3A_127 : i32
    %dma_start3A_129 = arith.constant 0 : i32
    %dma_start3A_130 = tpu.memref_slice %arg4[%add3A_128, %dma_start3A_129] : memref<16384x512xf32, #tpu.memory_space<hbm>> -> memref<64x512xf32, #tpu.memory_space<hbm>>
    %dma_start3A_131 = arith.constant 0 : i32
    %dma_start3A_132 = tpu.memref_slice %arg4[%add3A_128, %dma_start3A_131] : memref<16384x512xf32, #tpu.memory_space<hbm>> -> memref<64x512xf32, #tpu.memory_space<hbm>>
    tpu.enqueue_dma source(%arg6 : memref<64x512xf32, #tpu.memory_space<vmem>>) target(%dma_start3A_132 : memref<64x512xf32, #tpu.memory_space<hbm>>) target_semaphore(%arg10 : memref<!tpu.dma_semaphore, #tpu.memory_space<semaphore_mem>>)
    %dma_wait3A_133 = arith.constant 0 : i32
    %dma_wait3A_134 = tpu.memref_slice %arg4[%add3A_108, %dma_wait3A_133] : memref<16384x512xf32, #tpu.memory_space<hbm>> -> memref<64x512xf32, #tpu.memory_space<hbm>>
    %dma_wait3A_135 = arith.constant 0 : i32
    %dma_wait3A_136 = tpu.memref_slice %arg4[%add3A_108, %dma_wait3A_135] : memref<16384x512xf32, #tpu.memory_space<hbm>> -> memref<64x512xf32, #tpu.memory_space<hbm>>
    tpu.wait_dma2 semaphore(%arg11 : memref<!tpu.dma_semaphore, #tpu.memory_space<semaphore_mem>>) src(%arg7 : memref<64x512xf32, #tpu.memory_space<vmem>>) dst(%dma_wait3A_136 : memref<64x512xf32, #tpu.memory_space<hbm>>)
    %dma_start3A_137 = arith.constant 448 : i32
    %dma_start3A_138 = tpu.memref_slice %arg5[%dma_start3A_137] : memref<512xi32, #tpu.memory_space<vmem>> -> memref<64xi32, #tpu.memory_space<vmem>>
    %dma_start3A_139 = arith.constant 0 : i32
    %dma_start3A_140 = arith.constant 0 : i32
    %dma_start3A_141 = tpu.memref_slice %arg2[%dma_start3A_139, %dma_start3A_140] : memref<246x512xf32, #tpu.memory_space<hbm>> -> memref<246x512xf32, #tpu.memory_space<hbm>>
    tpu.enqueue_indirect_dma source(%dma_start3A_141 : memref<246x512xf32, #tpu.memory_space<hbm>>) target(%arg7 : memref<64x512xf32, #tpu.memory_space<vmem>>) offsets(%dma_start3A_138 : memref<64xi32, #tpu.memory_space<vmem>>) semaphore(%arg9 : memref<!tpu.dma_semaphore, #tpu.memory_space<semaphore_mem>>)
    %dma_wait3A_142 = arith.constant 448 : i32
    %dma_wait3A_143 = tpu.memref_slice %arg5[%dma_wait3A_142] : memref<512xi32, #tpu.memory_space<vmem>> -> memref<64xi32, #tpu.memory_space<vmem>>
    %dma_wait3A_144 = arith.constant 0 : i32
    %dma_wait3A_145 = arith.constant 0 : i32
    %dma_wait3A_146 = tpu.memref_slice %arg2[%dma_wait3A_144, %dma_wait3A_145] : memref<246x512xf32, #tpu.memory_space<hbm>> -> memref<246x512xf32, #tpu.memory_space<hbm>>
    tpu.wait_indirect_dma semaphore(%arg9 : memref<!tpu.dma_semaphore, #tpu.memory_space<semaphore_mem>>) src(%dma_wait3A_146 : memref<246x512xf32, #tpu.memory_space<hbm>>) dst(%arg7 : memref<64x512xf32, #tpu.memory_space<vmem>>)
    %add3A_147 = arith.constant 448 : i32
    %add3A_148 = arith.addi %mul3A_2, %add3A_147 : i32
    %dma_start3A_149 = arith.constant 0 : i32
    %dma_start3A_150 = tpu.memref_slice %arg4[%add3A_148, %dma_start3A_149] : memref<16384x512xf32, #tpu.memory_space<hbm>> -> memref<64x512xf32, #tpu.memory_space<hbm>>
    %dma_start3A_151 = arith.constant 0 : i32
    %dma_start3A_152 = tpu.memref_slice %arg4[%add3A_148, %dma_start3A_151] : memref<16384x512xf32, #tpu.memory_space<hbm>> -> memref<64x512xf32, #tpu.memory_space<hbm>>
    tpu.enqueue_dma source(%arg7 : memref<64x512xf32, #tpu.memory_space<vmem>>) target(%dma_start3A_152 : memref<64x512xf32, #tpu.memory_space<hbm>>) target_semaphore(%arg11 : memref<!tpu.dma_semaphore, #tpu.memory_space<semaphore_mem>>)
    %dma_wait3A_153 = arith.constant 0 : i32
    %dma_wait3A_154 = tpu.memref_slice %arg4[%add3A_128, %dma_wait3A_153] : memref<16384x512xf32, #tpu.memory_space<hbm>> -> memref<64x512xf32, #tpu.memory_space<hbm>>
    %dma_wait3A_155 = arith.constant 0 : i32
    %dma_wait3A_156 = tpu.memref_slice %arg4[%add3A_128, %dma_wait3A_155] : memref<16384x512xf32, #tpu.memory_space<hbm>> -> memref<64x512xf32, #tpu.memory_space<hbm>>
    tpu.wait_dma2 semaphore(%arg10 : memref<!tpu.dma_semaphore, #tpu.memory_space<semaphore_mem>>) src(%arg6 : memref<64x512xf32, #tpu.memory_space<vmem>>) dst(%dma_wait3A_156 : memref<64x512xf32, #tpu.memory_space<hbm>>)
    %dma_wait3A_157 = arith.constant 0 : i32
    %dma_wait3A_158 = tpu.memref_slice %arg4[%add3A_148, %dma_wait3A_157] : memref<16384x512xf32, #tpu.memory_space<hbm>> -> memref<64x512xf32, #tpu.memory_space<hbm>>
    %dma_wait3A_159 = arith.constant 0 : i32
    %dma_wait3A_160 = tpu.memref_slice %arg4[%add3A_148, %dma_wait3A_159] : memref<16384x512xf32, #tpu.memory_space<hbm>> -> memref<64x512xf32, #tpu.memory_space<hbm>>
    tpu.wait_dma2 semaphore(%arg11 : memref<!tpu.dma_semaphore, #tpu.memory_space<semaphore_mem>>) src(%arg7 : memref<64x512xf32, #tpu.memory_space<vmem>>) dst(%dma_wait3A_160 : memref<64x512xf32, #tpu.memory_space<hbm>>)
    return
  }
}

module attributes {stable_mosaic.version = 14 : i64} {
  func.func @_transform_body(%arg0: memref<246x512xf32, #tpu.memory_space<vmem>>, %arg1: memref<512x512xf32, #tpu.memory_space<vmem>>, %arg2: memref<1x512xf32, #tpu.memory_space<vmem>>, %arg3: memref<246x512xf32, #tpu.memory_space<vmem>>) attributes {dimension_semantics = [], scalar_prefetch = 0 : i64, scratch_operands = 0 : i64, tpu.core_type = #tpu.core_type<tc>} {
    %get3A = arith.constant 0 : index
    %get3A_0 = arith.constant 0 : index
    %get3A_1 = vector.load %arg0[%get3A, %get3A_0] : memref<246x512xf32, #tpu.memory_space<vmem>>, vector<246x512xf32>
    %get3A_2 = arith.constant 0 : index
    %get3A_3 = arith.constant 0 : index
    %get3A_4 = vector.load %arg1[%get3A_2, %get3A_3] : memref<512x512xf32, #tpu.memory_space<vmem>>, vector<512x512xf32>
    %dot_general3A = arith.constant dense<0.000000e+00> : vector<246x512xf32>
    %dot_general3A_5 = tpu.matmul %get3A_1, %get3A_4, %dot_general3A {dimension_numbers = #tpu.dot_dimension_numbers<[1], [1], [0], [0], [0, 0, 1, 0], [], []>, precision = #tpu.contract_precision<fp32>, transpose_lhs_hint = false} : vector<246x512xf32>, vector<512x512xf32>, vector<246x512xf32> -> vector<246x512xf32>
    %get3A_6 = arith.constant 0 : index
    %get3A_7 = arith.constant 0 : index
    %get3A_8 = vector.load %arg2[%get3A_6, %get3A_7] : memref<1x512xf32, #tpu.memory_space<vmem>>, vector<1x512xf32>
    %add3A = vector.broadcast %get3A_8 : vector<1x512xf32> to vector<246x512xf32>
    %add3A_9 = arith.addf %dot_general3A_5, %add3A : vector<246x512xf32>
    %swap3A = arith.constant 0 : index
    %swap3A_10 = arith.constant 0 : index
    %swap3A_11 = vector.load %arg3[%swap3A, %swap3A_10] : memref<246x512xf32, #tpu.memory_space<vmem>>, vector<246x512xf32>
    tpu.vector_store %arg3[%swap3A, %swap3A_10], %add3A_9 {strides = array<i32>} : memref<246x512xf32, #tpu.memory_space<vmem>>, vector<246x512xf32>,
    return
  }
}

</mosaic_0001>

<sc_bundles>
// kernel: kernel.4.cloned.1.call-start
scs
__scs_entry_jumppad:
0x0: {  	(pc) =	sbr.rel $0x88, $3  }
0x1: {  	(tag) =	ssettag $0x0;
	lr =	simm.s32 $0x1  }
0x2: {  	[smem:$0x3F9D] =	sst lr;
	_ =	strace $0xD0000000  }
0x3: {  	_ = 	snop  }
0x4: {  	_ = 	snop  }
0x5: {  	_ = 	snop  }
0x6: {  	_ = 	snop  }
0x7: {  	_ = 	snop  }
__scs_overlays_trampoline_lowered:
0x8: {  	[smem:$0x3FAC] =	sst s0  }
0x9: {  	[smem:$0x3FAD] =	sst s1  }
0xa: {  	[smem:$0x3FAE] =	sst s2  }
0xb: {  	[smem:$0x3FAF] =	sst s3  }
0xc: {  	[smem:$0x3FB0] =	sst s4  }
0xd: {  	[smem:$0x3FB1] =	sst s5  }
0xe: {  	[smem:$0x3FB2] =	sst s6  }
0xf: {  	[smem:$0x3FB3] =	sst s7  }
0x10: {  	[smem:$0x3FB4] =	sst s8  }
0x11: {  	[smem:$0x3FB5] =	sst s9;
	s0 =	simm.s32 @!p0 $0x0  }
0x12: {  	s1 =	sld [smem:$0x3F9B];
	s0 =	simm.s32 @p0 $0x1  }
0x13: {  	[smem:$0x3FB6] =	sst s0;
	s0 =	simm.s32 @!p1 $0x0  }
0x14: {  	s2 =	sld [smem:$0x3F9A];
	s0 =	simm.s32 @p1 $0x1  }
0x15: {  	[smem:$0x3FB7] =	sst s0;
	s0 =	simm.s32 @!p2 $0x0  }
0x16: {  	s3 =	sld [smem:$0x3FDB];
	s0 =	simm.s32 @p2 $0x1  }
0x17: {  	s4 =	simm.s32 $0x1BF5;
	[smem:$0x3FB9] =	sst s0  }
0x18: {  	s0 =	sld [smem:$0x3F9C];
	_ =	swait.ge [sflag:s4], $0x0  }
0x19: {  	s7 =	sld [smem:$0x3F9D]  }
0x1a: {  	s8 =	sadd.s32 $0xFFFFE003, lr  }
0x1b: {  	s9 =	sadd.s32 $0xFFFFFEF7, lr;
	s5 =	simm.s32 $0xFFFFFFFF;
	p2 =	slt.u32 s8, $0xFFFFF086  }
0x1c: {  	p1 =	slt.u32 s9, $0xF7A;
	s5 =	simm.s32 @!p2 $0x0  }
0x1d: {  	s5 =	simm.s32 @p1 $0x1;
	p0 =	seq.s32 s7, s2  }
0x1e: {  	s7 =	smul.u32 @!p0 $0xF7A, s2;
	p2 =	seq.s32 @!p0 s5, $0x0  }
0x1f: {  	s9 =	smul.u32 $0xF7A, s1;
	s8 =	simm.s32 @!p0 $0x1BF5;
	p2 =	por !p2, p0  }
0x20: {  	[sflag:s8] =	ssyncset.s32 @!p0 $0xFFFFF086;
	s6 =	sadd.s32 @!p0 s3, s7;
	s7 =	simm.s32 @!p0 $0x108  }
0x21: {  	s3 =	sadd.s32 s3, s9;
	s6 =	sadd.s32 @!p0 $0x88, s6;
	s7 =	simm.s32 @p2 $0x1082  }
0x22: {  	[simem:s7], [sflag:s8] =	dma.local @!p0 [hbm:s6], $0xF7A  }
0x23: {  	s9 =	sor.u32 $0xD0000000, s2;
	s6 =	simm.s32 $0x108;
	_ =	swait.ge @!p0 [sflag:s8], $0x0  }
0x24: {  	s3 =	sadd.s32 $0x88, s3;
	s6 =	simm.s32 @!p1 $0x1082;
	[sflag:s4] =	ssyncset.s32 $0xFFFFF086  }
0x25: {  	[simem:s6], [sflag:s4] =	dma.local [hbm:s3], $0xF7A  }
0x26: {  	[smem:$0x3F9D] =	sst s1;
	(tag) =	ssettag s2;
	_ =	strace s9  }
0x27: {  	s1 =	sld [smem:$0x3FAD]  }
0x28: {  	s2 =	sld [smem:$0x3FAE]  }
0x29: {  	s4 =	sld [smem:$0x3FB0]  }
0x2a: {  	p0 =	seq.s32 s5, $0x0;
	s5 =	sld [smem:$0x3FB1]  }
0x2b: {  	s6 =	sld [smem:$0x3FB2]  }
0x2c: {  	s7 =	sld [smem:$0x3FB3]  }
0x2d: {  	s3 =	simm.s32 $0x108;
	s8 =	sld [smem:$0x3FB4]  }
0x2e: {  	s3 =	simm.s32 @!p0 $0x1082;
	s9 =	sld [smem:$0x3FB5]  }
0x2f: {  	lr =	sadd.s32 s0, s3;
	s0 =	sld [smem:$0x3FAC]  }
0x30: {  	s3 =	sld [smem:$0x3FAF]  }
0x31: {  	[smem:$0x3FB8] =	sst s10  }
0x32: {  	s10 =	sld [smem:$0x3FB6];
	_ =	sdelay $0x3  }
0x33: {  	p0 =	seq.s32 s10, $0x1;
	s10 =	sld [smem:$0x3FB8];
	_ =	sdelay $0x3  }
0x34: {  	[smem:$0x3FB8] =	sst s10  }
0x35: {  	s10 =	sld [smem:$0x3FB7];
	_ =	sdelay $0x3  }
0x36: {  	p1 =	seq.s32 s10, $0x1;
	s10 =	sld [smem:$0x3FB8];
	_ =	sdelay $0x3  }
0x37: {  	[smem:$0x3FB8] =	sst s10  }
0x38: {  	s10 =	sld [smem:$0x3FB9]  }
0x39: {  	_ = 	snop;
	(pc) =	sbr.ind lr, $3  }
0x3a: {  	_ = 	snop  }
0x3b: {  	_ = 	snop  }
0x3c: {  	p2 =	seq.s32 s10, $0x1;
	s10 =	sld [smem:$0x3FB8]  }
0x3d: {  	_ =	shalt  }
0x3e: {  	_ =	shalt  }
0x3f: {  	_ =	shalt  }
0x40: {  	_ =	shalt  }
0x41: {  	_ =	shalt  }
0x42: {  	_ =	shalt  }
0x43: {  	_ =	shalt  }
0x44: {  	_ =	shalt  }
0x45: {  	_ =	shalt  }
0x46: {  	_ =	shalt  }
0x47: {  	_ =	shalt  }
0x48: {  	_ =	shalt  }
0x49: {  	_ =	shalt  }
0x4a: {  	_ =	shalt  }
0x4b: {  	_ =	shalt  }
0x4c: {  	_ =	shalt  }
0x4d: {  	_ =	shalt  }
0x4e: {  	_ =	shalt  }
0x4f: {  	_ =	shalt  }
0x50: {  	_ =	shalt  }
0x51: {  	_ =	shalt  }
0x52: {  	_ =	shalt  }
0x53: {  	_ =	shalt  }
0x54: {  	_ =	shalt  }
0x55: {  	_ =	shalt  }
0x56: {  	_ =	shalt  }
0x57: {  	_ =	shalt  }
0x58: {  	_ =	shalt  }
0x59: {  	_ =	shalt  }
0x5a: {  	_ =	shalt  }
0x5b: {  	_ =	shalt  }
0x5c: {  	_ =	shalt  }
0x5d: {  	_ =	shalt  }
0x5e: {  	_ =	shalt  }
0x5f: {  	_ =	shalt  }
0x60: {  	_ =	shalt  }
0x61: {  	_ =	shalt  }
0x62: {  	_ =	shalt  }
0x63: {  	_ =	shalt  }
0x64: {  	_ =	shalt  }
0x65: {  	_ =	shalt  }
0x66: {  	_ =	shalt  }
0x67: {  	_ =	shalt  }
0x68: {  	_ =	shalt  }
0x69: {  	_ =	shalt  }
0x6a: {  	_ =	shalt  }
0x6b: {  	_ =	shalt  }
0x6c: {  	_ =	shalt  }
0x6d: {  	_ =	shalt  }
0x6e: {  	_ =	shalt  }
0x6f: {  	_ =	shalt  }
0x70: {  	_ =	shalt  }
0x71: {  	_ =	shalt  }
0x72: {  	_ =	shalt  }
0x73: {  	_ =	shalt  }
0x74: {  	_ =	shalt  }
0x75: {  	_ =	shalt  }
0x76: {  	_ =	shalt  }
0x77: {  	_ =	shalt  }
0x78: {  	_ =	shalt  }
0x79: {  	_ =	shalt  }
0x7a: {  	_ =	shalt  }
0x7b: {  	_ =	shalt  }
0x7c: {  	_ =	shalt  }
0x7d: {  	_ =	shalt  }
0x7e: {  	_ =	shalt  }
0x7f: {  	_ =	shalt  }
0x80: {  	_ =	shalt  }
0x81: {  	_ =	shalt  }
0x82: {  	_ =	shalt  }
0x83: {  	_ =	shalt  }
0x84: {  	_ =	shalt  }
0x85: {  	_ =	shalt  }
0x86: {  	_ =	shalt  }
0x87: {  	_ =	shalt  }
.Lfunc_end0:
.L_simem_size_0:
called_computation_lowered:
.L_overlay_start_0:
0x88: {  	s2 =	sld [smem:$0x3FD9]  }
0x89: {  	s3 =	sld [smem:$0x3FFE];
	_ =	sdelay $0x1  }
0x8a: {  	s1 =	srdreg.scid  }
0x8b: {  	s0 =	sand.u32 $0x1, s1  }
0x8c: {  	s17 =	sshll.u32 s0, $0xA;
	s2 =	sadd.s32 s3, s2  }
0x8d: {  	s2 =	sadd.s32 s2, s17  }
0x8e: {  	[smem:$0x3FC4] =	sst s2  }
0x8f: {  	_ = 	snop  }
0x90: {  	s2 =	sld [smem:$0x3FC9]  }
0x91: {  	s18 =	sld [smem:$0x3FD0];
	(tm) =	ssettm $0x1  }
0x92: {  	s4 =	sld [smem:$0x3FFB];
	_ =	sdelay $0x3  }
0x93: {  	_ =	strace s4  }
0x94: {  	s4 =	sld [smem:$0x3FFC];
	_ =	sdelay $0x3  }
0x95: {  	_ =	strace s4  }
0x96: {  	s4 =	sld [smem:$0x3FFD];
	_ =	sdelay $0x3  }
0x97: {  	_ =	strace s4  }
0x98: {  	_ =	strace $0x8FFFFFFF  }
0x99: {  	s19 =	sld [smem:$0x3FDB];
	_ =	sdelay $0x1  }
0x9a: {  	s5 =	simm.s32 $_scs_section_size  }
0x9b: {  	s6 =	simm.s32 $_size__tile_overlayer_lowered;
	s7 =	simm.s32 $_tile_overlayer_lowered  }
0x9c: {  	s22 =	simm.s32 $0x1BFF;
	s21 =	sshll.u32 s7, $0x1;
	s4 =	sadd.s32 s5, s19  }
0x9d: {  	s8 =	simm.s32 $0x0;
	s20 =	sshll.u32 s6, $0x1;
	s6 =	sadd.s32 s21, s4  }
0x9e: {  	[timem:s8], [sflag:s22] =	dma.local [hbm:s6], s20  }
0x9f: {  	_ =	swait.ge [sflag:s22], s20  }
0xa0: {  	s5 =	ssub.s32 $0x0, s20;
	[sflag:s22] =	ssyncset.done $0x0  }
0xa1: {  	[sflag:s22] =	ssyncadd.s32 s5;
	_ =	sdelay $0x1  }
0xa2: {  	s23 =	simm.s32 $0x1B8B  }
0xa3: {  	_ =	swait.ge [sflag:s23], $0x1  }
0xa4: {  	[sflag:s23] =	ssyncset.done $0x0  }
0xa5: {  	s25 =	simm.s32 $0x1B8E;
	s24 =	sld [smem:$0x3FFE];
	[sflag:s23] =	ssyncadd.s32 $0xFFFFFFFF  }
0xa6: {  	s26 =	simm.s32 $execute0_lowered;
	[smem:$0x3FD2] =	sst s25  }
0xa7: {  	s6 =	sshll.u32 s26, $0x1;
	_ =	strace $0x80000046;
	[dreg:$0x1] =	wrdreg $0xFFFFFFFF  }
0xa8: {  	s28 =	simm.s32 $_size_execute0_lowered;
	s4 =	sadd.s32 s4, s6;
	[dreg:$0x0] =	wrdreg $0x0  }
0xa9: {  	s6 =	sshll.u32 s28, $0x1;
	[dreg:$0x2] =	wrdreg s4  }
0xaa: {  	[dreg:$0x3] =	wrdreg s6  }
0xab: {  	[dreg:$0x4] =	wrdreg $0xC0  }
0xac: {  	_ =	task [dreg:s8], $0x5FFFF  }
0xad: {  	[dreg:$0x1] =	wrdreg $0xFFFFFFFF  }
0xae: {  	[dreg:$0x0] =	wrdreg $0x60  }
0xaf: {  	[dreg:$0x2] =	wrdreg s24  }
0xb0: {  	[dreg:$0x3] =	wrdreg s2  }
0xb1: {  	[dreg:$0x4] =	wrdreg s18  }
0xb2: {  	[dreg:$0x5] =	wrdreg $0x9  }
0xb3: {  	_ =	task.clear_ibuf [dreg:s8], $0x6FFFF;
	_ =	strace $0x90000046  }
0xb4: {  	s29 =	simm.s32 $0x9;
	_ =	strace $0x80000048  }
0xb5: {  	_ =	swait.ge [sflag:s29], $0x1  }
0xb6: {  	[sflag:s29] =	ssyncadd.s32 $0xFFFFFFFF  }
0xb7: {  	_ =	strace $0x90000048  }
0xb8: {  	_ =	sfence  }
0xb9: {  	s30 =	sld [smem:$0x0];
	_ =	sdelay $0x2  }
0xba: {  	s31 =	sshll.u32 s1, $0xD;
	s1 =	sshrl.u32 s1, $0x2  }
0xbb: {  	s3 =	sand.u32 $0x4000, s31;
	s1 =	sadd.s32 s1, s30  }
0xbc: {  	s0 =	sor.u32 s3, s0;
	s1 =	sshll.u32 s1, $0x11  }
0xbd: {  	s0 =	sor.u32 s1, s0  }
0xbe: {  	s0 =	sadd.s32 $0x8F2B, s0  }
0xbf: {  	[sflag:s0] =	ssyncadd.remote.s32 $0x1  }
0xc0: {  	_ =	sfence.sel $0xFFFF  }
0xc1: {  	[dreg:$0x0] =	wrdreg $0xFFFFFFFF;
	(pc) =	sbr.abs _section_cstart, $3  }
0xc2: {  	[dreg:$0x1] =	wrdreg $0xFFFFFFFF  }
0xc3: {  	_ =	task.clear_ibuf [dreg:s8], $0x2FFFF;
	_ =	strace $0x9FFFFFFF  }
0xc4: {  	(tm) =	ssettm $0x7FFFFFFF  }
0xc5: {  	_ =	shalt  }
tec
execute0_lowered:
.L_overlay_start_1:
0x0: {  	(tag) =	ssettag $0x1  }
0x1: {  	s0 =	rddreg [dreg:$0x0];
	s1 =	srdreg.scid  }
0x2: {  	s3 =	rddreg [dreg:$0x1];
	s2 =	stileid.u32;
	s1 =	sand.u32 $0x1, s1  }
0x3: {  	s4 =	rddreg [dreg:$0x2];
	s5 =	sshll.u32 s2, $0xA;
	s6 =	sshll.u32 s1, $0x9  }
0x4: {  	s31 =	simm.s32 $0x200;
	s15 =	simm.s32 $0x2;
	s5 =	sor.u32 s6, s5  }
0x5: {  	s16 =	simm.s32 $0x3;
	s2 =	simm.s32 $0x0;
	s6 =	sshrl.u32 s5, $0x3  }
0x6: {  	[smem:$0x7FF] =	sst s2;
	s5 =	sshll.u32 s5, $0x6;
	s3 =	sadd.s32 s3, s6  }
0x7: {  	_ =	strace $0x80000047;
	s21 =	sadd.s32 s4, s5;
	[dreg:$0x4] =	wrdreg s3  }
0x8: {  	s17 =	simm.s32 $0x4;
	s22 =	sadd.s32 $0x1000, s21;
	[dreg:$0xc] =	wrdreg s21  }
0x9: {  	s1 =	ssub.s32 $0x2, s1;
	s23 =	sadd.s32 $0x2000, s21;
	[dreg:$0x5] =	wrdreg s22  }
0xa: {  	s26 =	sshrl.u32 s1, $0x1;
	s24 =	sadd.s32 $0x3000, s21;
	[dreg:$0x6] =	wrdreg s23  }
0xb: {  	s1 =	ssub.s32 s1, s26;
	s25 =	sadd.s32 $0x4000, s21;
	[dreg:$0x7] =	wrdreg s24  }
0xc: {  	s4 =	sadd.s32 $0xC00, s0;
	s28 =	sadd.s32 $0x5000, s21;
	[dreg:$0x8] =	wrdreg s25  }
0xd: {  	v2 =	vlaneseq.u32;
	s5 =	sadd.s32 $0xD00, s0;
	s29 =	sadd.s32 $0x6000, s21;
	[dreg:$0x9] =	wrdreg s28  }
0xe: {  	vm0 =	vmmov $0xffff;
	v1 =	vshrl.u32 v2, $0x3;
	s6 =	smax.u32 s1, $0x1;
	s30 =	sadd.s32 $0x7000, s21;
	[dreg:$0xa] =	wrdreg s29  }
0xf: {  	v0 =	vand.u32 $0x7, v2;
	v2 =	vor.u32 $0x8, v2;
	v1 =	vmul.u32 $0x8, v1;
	[dreg:$0xb] =	wrdreg s30;
	s24 =	simm.s32 $0x1;
	s25 =	simm.s32 $0x8200  }
.LBB2_1:
0x10: {  	s18 =	rddreg [dreg:$0x4];
	s11 =	simm.s32 $0x5  }
0x11: {  	[tilespmem:s2], [sflag:$0x5] =	stream.linear.gather [hbm4b:s18+s2], $0x200, $0x38;
	[tilespmem:$0x10200] =	vst v63  }
0x12: {  	_ =	swait.ge [sflag:s11], $0x200  }
0x13: {  	[sflag:s11] =	ssyncset.done $0x0  }
0x14: {  	[sflag:s11] =	ssyncadd.s32 $0xFFFFFE00  }
0x15: {  	v3 =	vld [tilespmem:$0x0];
	_ =	sdelay $0x4  }
0x16: {  	v4 =	vshll.u32 v3, $0x2  }
0x17: {  	v3 =	vand.u32 $0x7, v3;
	v4 =	vand.u32 $0xFFFFFFE0, v4  }
0x18: {  	v3 =	vor.u32 v3, v4  }
0x19: {  	v4 =	vperm.xlane v3, v0;
	_ =	sdelay $0x1  }
0x1a: {  	v4 =	vadd.s32 v1, v4;
	_ =	sdelay $0x1  }
0x1b: {  	v3 =	vperm.xlane v3, v2;
	_ =	sdelay $0x1  }
0x1c: {  	v3 =	vadd.s32 v1, v3  }
0x1d: {  	[tilespmem:s31], [sflag:$0x1] =	stream.indirect_vreg.gather [hbm4b:s4+s2], $0x80, v4, vm0, $0xb8;
	[tilespmem:$0x10200] =	vst v63  }
0x1e: {  	s0 =	simm.s32 $0xA00  }
0x1f: {  	[tilespmem:s0], [sflag:$0x1] =	stream.indirect_vreg.gather [hbm4b:s5+s2], $0x80, v4, vm0, $0xb8;
	[tilespmem:$0x10200] =	vst v63  }
0x20: {  	s12 =	simm.s32 $0x1200  }
0x21: {  	[tilespmem:s12], [sflag:$0x1] =	stream.indirect_vreg.gather [hbm4b:s4+s2], $0x80, v3, vm0, $0xb8;
	[tilespmem:$0x10200] =	vst v63  }
0x22: {  	s13 =	simm.s32 $0x1A00  }
0x23: {  	[tilespmem:s13], [sflag:$0x1] =	stream.indirect_vreg.gather [hbm4b:s5+s2], $0x80, v3, vm0, $0xb8;
	[tilespmem:$0x10200] =	vst v63  }
0x24: {  	v3 =	vld [tilespmem:$0x10];
	_ =	sdelay $0x4  }
0x25: {  	v33 =	vshll.u32 v3, $0x2  }
0x26: {  	v3 =	vand.u32 $0x7, v3;
	v4 =	vand.u32 $0xFFFFFFE0, v33  }
0x27: {  	v3 =	vor.u32 v3, v4  }
0x28: {  	v4 =	vperm.xlane v3, v0;
	_ =	sdelay $0x1  }
0x29: {  	v4 =	vadd.s32 v1, v4;
	_ =	sdelay $0x1  }
0x2a: {  	v3 =	vperm.xlane v3, v2;
	_ =	sdelay $0x1  }
0x2b: {  	s14 =	simm.s32 $0x2200;
	v3 =	vadd.s32 v1, v3  }
0x2c: {  	[tilespmem:s14], [sflag:$0x1] =	stream.indirect_vreg.gather [hbm4b:s4+s2], $0x80, v4, vm0, $0xb8;
	[tilespmem:$0x10200] =	vst v63  }
0x2d: {  	s18 =	simm.s32 $0x2A00  }
0x2e: {  	[tilespmem:s18], [sflag:$0x1] =	stream.indirect_vreg.gather [hbm4b:s5+s2], $0x80, v4, vm0, $0xb8;
	[tilespmem:$0x10200] =	vst v63  }
0x2f: {  	s19 =	simm.s32 $0x3200  }
0x30: {  	[tilespmem:s19], [sflag:$0x1] =	stream.indirect_vreg.gather [hbm4b:s4+s2], $0x80, v3, vm0, $0xb8;
	[tilespmem:$0x10200] =	vst v63  }
0x31: {  	s20 =	simm.s32 $0x3A00  }
0x32: {  	[tilespmem:s20], [sflag:$0x1] =	stream.indirect_vreg.gather [hbm4b:s5+s2], $0x80, v3, vm0, $0xb8;
	[tilespmem:$0x10200] =	vst v63  }
0x33: {  	v3 =	vld [tilespmem:$0x20];
	_ =	sdelay $0x4  }
0x34: {  	v34 =	vshll.u32 v3, $0x2  }
0x35: {  	v3 =	vand.u32 $0x7, v3;
	v4 =	vand.u32 $0xFFFFFFE0, v34  }
0x36: {  	v3 =	vor.u32 v3, v4  }
0x37: {  	v4 =	vperm.xlane v3, v0;
	_ =	sdelay $0x1  }
0x38: {  	v4 =	vadd.s32 v1, v4;
	_ =	sdelay $0x1  }
0x39: {  	v3 =	vperm.xlane v3, v2;
	_ =	sdelay $0x1  }
0x3a: {  	s21 =	simm.s32 $0x4200;
	v3 =	vadd.s32 v1, v3  }
0x3b: {  	[tilespmem:s21], [sflag:$0x1] =	stream.indirect_vreg.gather [hbm4b:s4+s2], $0x80, v4, vm0, $0xb8;
	[tilespmem:$0x10200] =	vst v63  }
0x3c: {  	s22 =	simm.s32 $0x4A00  }
0x3d: {  	[tilespmem:s22], [sflag:$0x1] =	stream.indirect_vreg.gather [hbm4b:s5+s2], $0x80, v4, vm0, $0xb8;
	[tilespmem:$0x10200] =	vst v63  }
0x3e: {  	s23 =	simm.s32 $0x5200  }
0x3f: {  	[tilespmem:s23], [sflag:$0x1] =	stream.indirect_vreg.gather [hbm4b:s4+s2], $0x80, v3, vm0, $0xb8;
	[tilespmem:$0x10200] =	vst v63  }
0x40: {  	s26 =	simm.s32 $0x5A00  }
0x41: {  	[tilespmem:s26], [sflag:$0x1] =	stream.indirect_vreg.gather [hbm4b:s5+s2], $0x80, v3, vm0, $0xb8;
	[tilespmem:$0x10200] =	vst v63  }
0x42: {  	v3 =	vld [tilespmem:$0x30];
	_ =	sdelay $0x4  }
0x43: {  	v35 =	vshll.u32 v3, $0x2  }
0x44: {  	v3 =	vand.u32 $0x7, v3;
	v4 =	vand.u32 $0xFFFFFFE0, v35  }
0x45: {  	v3 =	vor.u32 v3, v4  }
0x46: {  	v4 =	vperm.xlane v3, v0;
	_ =	sdelay $0x1  }
0x47: {  	v4 =	vadd.s32 v1, v4;
	_ =	sdelay $0x1  }
0x48: {  	v3 =	vperm.xlane v3, v2;
	_ =	sdelay $0x1  }
0x49: {  	s28 =	simm.s32 $0x6200;
	v3 =	vadd.s32 v1, v3  }
0x4a: {  	[tilespmem:s28], [sflag:$0x1] =	stream.indirect_vreg.gather [hbm4b:s4+s2], $0x80, v4, vm0, $0xb8;
	[tilespmem:$0x10200] =	vst v63  }
0x4b: {  	s29 =	simm.s32 $0x6A00  }
0x4c: {  	[tilespmem:s29], [sflag:$0x1] =	stream.indirect_vreg.gather [hbm4b:s5+s2], $0x80, v4, vm0, $0xb8;
	[tilespmem:$0x10200] =	vst v63  }
0x4d: {  	s30 =	simm.s32 $0x7200  }
0x4e: {  	[tilespmem:s30], [sflag:$0x1] =	stream.indirect_vreg.gather [hbm4b:s4+s2], $0x80, v3, vm0, $0xb8;
	[tilespmem:$0x10200] =	vst v63  }
0x4f: {  	s3 =	simm.s32 $0x7A00  }
0x50: {  	[tilespmem:s3], [sflag:$0x1] =	stream.indirect_vreg.gather [hbm4b:s5+s2], $0x80, v3, vm0, $0xb8;
	[tilespmem:$0x10200] =	vst v63  }
0x51: {  	_ =	swait.ge [sflag:s24], $0x8000  }
0x52: {  	[sflag:s24] =	ssyncset.done $0x0  }
0x53: {  	s8 =	rddreg [dreg:$0xc];
	[sflag:s24] =	ssyncadd.s32 $0xFFFF8000  }
0x54: {  	[hbm4b:s8+s2] =	stream.linear.scatter [tilespmem:s31], [sflag:$0x3], $0x8000, $0x38;
	[tilespmem:$0x10200] =	vst v63  }
0x55: {  	v3 =	vld [tilespmem:$0x40];
	_ =	sdelay $0x4  }
0x56: {  	v36 =	vshll.u32 v3, $0x2  }
0x57: {  	v3 =	vand.u32 $0x7, v3;
	v4 =	vand.u32 $0xFFFFFFE0, v36  }
0x58: {  	v3 =	vor.u32 v3, v4  }
0x59: {  	v4 =	vperm.xlane v3, v0;
	_ =	sdelay $0x1  }
0x5a: {  	v4 =	vadd.s32 v1, v4;
	_ =	sdelay $0x1  }
0x5b: {  	v3 =	vperm.xlane v3, v2;
	_ =	sdelay $0x1  }
0x5c: {  	v3 =	vadd.s32 v1, v3  }
0x5d: {  	[tilespmem:s25], [sflag:$0x2] =	stream.indirect_vreg.gather [hbm4b:s4+s2], $0x80, v4, vm0, $0xb8;
	[tilespmem:$0x10200] =	vst v63  }
0x5e: {  	s13 =	simm.s32 $0x8A00  }
0x5f: {  	[tilespmem:s13], [sflag:$0x2] =	stream.indirect_vreg.gather [hbm4b:s5+s2], $0x80, v4, vm0, $0xb8;
	[tilespmem:$0x10200] =	vst v63  }
0x60: {  	s14 =	simm.s32 $0x9200  }
0x61: {  	[tilespmem:s14], [sflag:$0x2] =	stream.indirect_vreg.gather [hbm4b:s4+s2], $0x80, v3, vm0, $0xb8;
	[tilespmem:$0x10200] =	vst v63  }
0x62: {  	s18 =	simm.s32 $0x9A00  }
0x63: {  	[tilespmem:s18], [sflag:$0x2] =	stream.indirect_vreg.gather [hbm4b:s5+s2], $0x80, v3, vm0, $0xb8;
	[tilespmem:$0x10200] =	vst v63  }
0x64: {  	v3 =	vld [tilespmem:$0x50];
	_ =	sdelay $0x4  }
0x65: {  	v37 =	vshll.u32 v3, $0x2  }
0x66: {  	v3 =	vand.u32 $0x7, v3;
	v4 =	vand.u32 $0xFFFFFFE0, v37  }
0x67: {  	v3 =	vor.u32 v3, v4  }
0x68: {  	v4 =	vperm.xlane v3, v0;
	_ =	sdelay $0x1  }
0x69: {  	v4 =	vadd.s32 v1, v4;
	_ =	sdelay $0x1  }
0x6a: {  	v3 =	vperm.xlane v3, v2;
	_ =	sdelay $0x1  }
0x6b: {  	s19 =	simm.s32 $0xA200;
	v3 =	vadd.s32 v1, v3  }
0x6c: {  	[tilespmem:s19], [sflag:$0x2] =	stream.indirect_vreg.gather [hbm4b:s4+s2], $0x80, v4, vm0, $0xb8;
	[tilespmem:$0x10200] =	vst v63  }
0x6d: {  	s20 =	simm.s32 $0xAA00  }
0x6e: {  	[tilespmem:s20], [sflag:$0x2] =	stream.indirect_vreg.gather [hbm4b:s5+s2], $0x80, v4, vm0, $0xb8;
	[tilespmem:$0x10200] =	vst v63  }
0x6f: {  	s21 =	simm.s32 $0xB200  }
0x70: {  	[tilespmem:s21], [sflag:$0x2] =	stream.indirect_vreg.gather [hbm4b:s4+s2], $0x80, v3, vm0, $0xb8;
	[tilespmem:$0x10200] =	vst v63  }
0x71: {  	s22 =	simm.s32 $0xBA00  }
0x72: {  	[tilespmem:s22], [sflag:$0x2] =	stream.indirect_vreg.gather [hbm4b:s5+s2], $0x80, v3, vm0, $0xb8;
	[tilespmem:$0x10200] =	vst v63  }
0x73: {  	v3 =	vld [tilespmem:$0x60];
	_ =	sdelay $0x4  }
0x74: {  	v38 =	vshll.u32 v3, $0x2  }
0x75: {  	v3 =	vand.u32 $0x7, v3;
	v4 =	vand.u32 $0xFFFFFFE0, v38  }
0x76: {  	v3 =	vor.u32 v3, v4  }
0x77: {  	v4 =	vperm.xlane v3, v0;
	_ =	sdelay $0x1  }
0x78: {  	v4 =	vadd.s32 v1, v4;
	_ =	sdelay $0x1  }
0x79: {  	v3 =	vperm.xlane v3, v2;
	_ =	sdelay $0x1  }
0x7a: {  	s23 =	simm.s32 $0xC200;
	v3 =	vadd.s32 v1, v3  }
0x7b: {  	[tilespmem:s23], [sflag:$0x2] =	stream.indirect_vreg.gather [hbm4b:s4+s2], $0x80, v4, vm0, $0xb8;
	[tilespmem:$0x10200] =	vst v63  }
0x7c: {  	s26 =	simm.s32 $0xCA00  }
0x7d: {  	[tilespmem:s26], [sflag:$0x2] =	stream.indirect_vreg.gather [hbm4b:s5+s2], $0x80, v4, vm0, $0xb8;
	[tilespmem:$0x10200] =	vst v63  }
0x7e: {  	s0 =	simm.s32 $0xD200  }
0x7f: {  	[tilespmem:s0], [sflag:$0x2] =	stream.indirect_vreg.gather [hbm4b:s4+s2], $0x80, v3, vm0, $0xb8;
	[tilespmem:$0x10200] =	vst v63  }
0x80: {  	s8 =	simm.s32 $0xDA00  }
0x81: {  	[tilespmem:s8], [sflag:$0x2] =	stream.indirect_vreg.gather [hbm4b:s5+s2], $0x80, v3, vm0, $0xb8;
	[tilespmem:$0x10200] =	vst v63  }
0x82: {  	v3 =	vld [tilespmem:$0x70];
	_ =	sdelay $0x4  }
0x83: {  	v39 =	vshll.u32 v3, $0x2  }
0x84: {  	v3 =	vand.u32 $0x7, v3;
	v4 =	vand.u32 $0xFFFFFFE0, v39  }
0x85: {  	v3 =	vor.u32 v3, v4  }
0x86: {  	v4 =	vperm.xlane v3, v0;
	_ =	sdelay $0x1  }
0x87: {  	v4 =	vadd.s32 v1, v4;
	_ =	sdelay $0x1  }
0x88: {  	v3 =	vperm.xlane v3, v2;
	_ =	sdelay $0x1  }
0x89: {  	s13 =	simm.s32 $0xE200;
	v3 =	vadd.s32 v1, v3  }
0x8a: {  	[tilespmem:s13], [sflag:$0x2] =	stream.indirect_vreg.gather [hbm4b:s4+s2], $0x80, v4, vm0, $0xb8;
	[tilespmem:$0x10200] =	vst v63  }
0x8b: {  	s14 =	simm.s32 $0xEA00  }
0x8c: {  	[tilespmem:s14], [sflag:$0x2] =	stream.indirect_vreg.gather [hbm4b:s5+s2], $0x80, v4, vm0, $0xb8;
	[tilespmem:$0x10200] =	vst v63  }
0x8d: {  	s20 =	simm.s32 $0xF200  }
0x8e: {  	[tilespmem:s20], [sflag:$0x2] =	stream.indirect_vreg.gather [hbm4b:s4+s2], $0x80, v3, vm0, $0xb8;
	[tilespmem:$0x10200] =	vst v63  }
0x8f: {  	s23 =	simm.s32 $0xFA00  }
0x90: {  	[tilespmem:s23], [sflag:$0x2] =	stream.indirect_vreg.gather [hbm4b:s5+s2], $0x80, v3, vm0, $0xb8;
	[tilespmem:$0x10200] =	vst v63  }
0x91: {  	_ =	swait.ge [sflag:s15], $0x8000  }
0x92: {  	[sflag:s15] =	ssyncset.done $0x0  }
0x93: {  	s0 =	rddreg [dreg:$0x5];
	[sflag:s15] =	ssyncadd.s32 $0xFFFF8000  }
0x94: {  	[hbm4b:s0+s2] =	stream.linear.scatter [tilespmem:s25], [sflag:$0x4], $0x8000, $0x38;
	[tilespmem:$0x10200] =	vst v63  }
0x95: {  	_ =	swait.ge [sflag:s16], $0x8000  }
0x96: {  	[sflag:s16] =	ssyncset.done $0x0  }
0x97: {  	[sflag:s16] =	ssyncadd.s32 $0xFFFF8000  }
0x98: {  	v3 =	vld [tilespmem:$0x80];
	_ =	sdelay $0x4  }
0x99: {  	v40 =	vshll.u32 v3, $0x2  }
0x9a: {  	v3 =	vand.u32 $0x7, v3;
	v4 =	vand.u32 $0xFFFFFFE0, v40  }
0x9b: {  	v3 =	vor.u32 v3, v4  }
0x9c: {  	v4 =	vperm.xlane v3, v0;
	_ =	sdelay $0x1  }
0x9d: {  	v4 =	vadd.s32 v1, v4;
	_ =	sdelay $0x1  }
0x9e: {  	v3 =	vperm.xlane v3, v2;
	_ =	sdelay $0x1  }
0x9f: {  	v3 =	vadd.s32 v1, v3  }
0xa0: {  	[tilespmem:s31], [sflag:$0x1] =	stream.indirect_vreg.gather [hbm4b:s4+s2], $0x80, v4, vm0, $0xb8;
	[tilespmem:$0x10200] =	vst v63  }
0xa1: {  	s1 =	simm.s32 $0xA00  }
0xa2: {  	[tilespmem:s1], [sflag:$0x1] =	stream.indirect_vreg.gather [hbm4b:s5+s2], $0x80, v4, vm0, $0xb8;
	[tilespmem:$0x10200] =	vst v63  }
0xa3: {  	s8 =	simm.s32 $0x1200  }
0xa4: {  	[tilespmem:s8], [sflag:$0x1] =	stream.indirect_vreg.gather [hbm4b:s4+s2], $0x80, v3, vm0, $0xb8;
	[tilespmem:$0x10200] =	vst v63  }
0xa5: {  	s7 =	simm.s32 $0x1A00  }
0xa6: {  	[tilespmem:s7], [sflag:$0x1] =	stream.indirect_vreg.gather [hbm4b:s5+s2], $0x80, v3, vm0, $0xb8;
	[tilespmem:$0x10200] =	vst v63  }
0xa7: {  	v3 =	vld [tilespmem:$0x90];
	_ =	sdelay $0x4  }
0xa8: {  	v41 =	vshll.u32 v3, $0x2  }
0xa9: {  	v3 =	vand.u32 $0x7, v3;
	v4 =	vand.u32 $0xFFFFFFE0, v41  }
0xaa: {  	v3 =	vor.u32 v3, v4  }
0xab: {  	v4 =	vperm.xlane v3, v0;
	_ =	sdelay $0x1  }
0xac: {  	v4 =	vadd.s32 v1, v4;
	_ =	sdelay $0x1  }
0xad: {  	v3 =	vperm.xlane v3, v2;
	_ =	sdelay $0x1  }
0xae: {  	s7 =	simm.s32 $0x2200;
	v3 =	vadd.s32 v1, v3  }
0xaf: {  	[tilespmem:s7], [sflag:$0x1] =	stream.indirect_vreg.gather [hbm4b:s4+s2], $0x80, v4, vm0, $0xb8;
	[tilespmem:$0x10200] =	vst v63  }
0xb0: {  	s9 =	simm.s32 $0x2A00  }
0xb1: {  	[tilespmem:s9], [sflag:$0x1] =	stream.indirect_vreg.gather [hbm4b:s5+s2], $0x80, v4, vm0, $0xb8;
	[tilespmem:$0x10200] =	vst v63  }
0xb2: {  	s10 =	simm.s32 $0x3200  }
0xb3: {  	[tilespmem:s10], [sflag:$0x1] =	stream.indirect_vreg.gather [hbm4b:s4+s2], $0x80, v3, vm0, $0xb8;
	[tilespmem:$0x10200] =	vst v63  }
0xb4: {  	s12 =	simm.s32 $0x3A00  }
0xb5: {  	[tilespmem:s12], [sflag:$0x1] =	stream.indirect_vreg.gather [hbm4b:s5+s2], $0x80, v3, vm0, $0xb8;
	[tilespmem:$0x10200] =	vst v63  }
0xb6: {  	v3 =	vld [tilespmem:$0xA0];
	_ =	sdelay $0x4  }
0xb7: {  	v42 =	vshll.u32 v3, $0x2  }
0xb8: {  	v3 =	vand.u32 $0x7, v3;
	v4 =	vand.u32 $0xFFFFFFE0, v42  }
0xb9: {  	v3 =	vor.u32 v3, v4  }
0xba: {  	v4 =	vperm.xlane v3, v0;
	_ =	sdelay $0x1  }
0xbb: {  	v4 =	vadd.s32 v1, v4;
	_ =	sdelay $0x1  }
0xbc: {  	v3 =	vperm.xlane v3, v2;
	_ =	sdelay $0x1  }
0xbd: {  	s11 =	simm.s32 $0x4200;
	v3 =	vadd.s32 v1, v3  }
0xbe: {  	[tilespmem:s11], [sflag:$0x1] =	stream.indirect_vreg.gather [hbm4b:s4+s2], $0x80, v4, vm0, $0xb8;
	[tilespmem:$0x10200] =	vst v63  }
0xbf: {  	s23 =	simm.s32 $0x4A00  }
0xc0: {  	[tilespmem:s23], [sflag:$0x1] =	stream.indirect_vreg.gather [hbm4b:s5+s2], $0x80, v4, vm0, $0xb8;
	[tilespmem:$0x10200] =	vst v63  }
0xc1: {  	s12 =	simm.s32 $0x5200  }
0xc2: {  	[tilespmem:s12], [sflag:$0x1] =	stream.indirect_vreg.gather [hbm4b:s4+s2], $0x80, v3, vm0, $0xb8;
	[tilespmem:$0x10200] =	vst v63  }
0xc3: {  	s13 =	simm.s32 $0x5A00  }
0xc4: {  	[tilespmem:s13], [sflag:$0x1] =	stream.indirect_vreg.gather [hbm4b:s5+s2], $0x80, v3, vm0, $0xb8;
	[tilespmem:$0x10200] =	vst v63  }
0xc5: {  	v3 =	vld [tilespmem:$0xB0];
	_ =	sdelay $0x4  }
0xc6: {  	v43 =	vshll.u32 v3, $0x2  }
0xc7: {  	v3 =	vand.u32 $0x7, v3;
	v4 =	vand.u32 $0xFFFFFFE0, v43  }
0xc8: {  	v3 =	vor.u32 v3, v4  }
0xc9: {  	v4 =	vperm.xlane v3, v0;
	_ =	sdelay $0x1  }
0xca: {  	v4 =	vadd.s32 v1, v4;
	_ =	sdelay $0x1  }
0xcb: {  	v3 =	vperm.xlane v3, v2;
	_ =	sdelay $0x1  }
0xcc: {  	s9 =	simm.s32 $0x6200;
	v3 =	vadd.s32 v1, v3  }
0xcd: {  	[tilespmem:s9], [sflag:$0x1] =	stream.indirect_vreg.gather [hbm4b:s4+s2], $0x80, v4, vm0, $0xb8;
	[tilespmem:$0x10200] =	vst v63  }
0xce: {  	s10 =	simm.s32 $0x6A00  }
0xcf: {  	[tilespmem:s10], [sflag:$0x1] =	stream.indirect_vreg.gather [hbm4b:s5+s2], $0x80, v4, vm0, $0xb8;
	[tilespmem:$0x10200] =	vst v63  }
0xd0: {  	s11 =	simm.s32 $0x7200  }
0xd1: {  	[tilespmem:s11], [sflag:$0x1] =	stream.indirect_vreg.gather [hbm4b:s4+s2], $0x80, v3, vm0, $0xb8;
	[tilespmem:$0x10200] =	vst v63  }
0xd2: {  	s14 =	simm.s32 $0x7A00  }
0xd3: {  	[tilespmem:s14], [sflag:$0x1] =	stream.indirect_vreg.gather [hbm4b:s5+s2], $0x80, v3, vm0, $0xb8;
	[tilespmem:$0x10200] =	vst v63  }
0xd4: {  	_ =	swait.ge [sflag:s24], $0x8000  }
0xd5: {  	[sflag:s24] =	ssyncset.done $0x0  }
0xd6: {  	s1 =	rddreg [dreg:$0x6];
	[sflag:s24] =	ssyncadd.s32 $0xFFFF8000  }
0xd7: {  	[hbm4b:s1+s2] =	stream.linear.scatter [tilespmem:s31], [sflag:$0x3], $0x8000, $0x38;
	[tilespmem:$0x10200] =	vst v63  }
0xd8: {  	_ =	swait.ge [sflag:s17], $0x8000  }
0xd9: {  	[sflag:s17] =	ssyncset.done $0x0  }
0xda: {  	[sflag:s17] =	ssyncadd.s32 $0xFFFF8000  }
0xdb: {  	v3 =	vld [tilespmem:$0xC0];
	_ =	sdelay $0x4  }
0xdc: {  	v44 =	vshll.u32 v3, $0x2  }
0xdd: {  	v3 =	vand.u32 $0x7, v3;
	v4 =	vand.u32 $0xFFFFFFE0, v44  }
0xde: {  	v3 =	vor.u32 v3, v4  }
0xdf: {  	v4 =	vperm.xlane v3, v0;
	_ =	sdelay $0x1  }
0xe0: {  	v4 =	vadd.s32 v1, v4;
	_ =	sdelay $0x1  }
0xe1: {  	v3 =	vperm.xlane v3, v2;
	_ =	sdelay $0x1  }
0xe2: {  	v3 =	vadd.s32 v1, v3  }
0xe3: {  	[tilespmem:s25], [sflag:$0x2] =	stream.indirect_vreg.gather [hbm4b:s4+s2], $0x80, v4, vm0, $0xb8;
	[tilespmem:$0x10200] =	vst v63  }
0xe4: {  	s0 =	simm.s32 $0x8A00  }
0xe5: {  	[tilespmem:s0], [sflag:$0x2] =	stream.indirect_vreg.gather [hbm4b:s5+s2], $0x80, v4, vm0, $0xb8;
	[tilespmem:$0x10200] =	vst v63  }
0xe6: {  	s1 =	simm.s32 $0x9200  }
0xe7: {  	[tilespmem:s1], [sflag:$0x2] =	stream.indirect_vreg.gather [hbm4b:s4+s2], $0x80, v3, vm0, $0xb8;
	[tilespmem:$0x10200] =	vst v63  }
0xe8: {  	s3 =	simm.s32 $0x9A00  }
0xe9: {  	[tilespmem:s3], [sflag:$0x2] =	stream.indirect_vreg.gather [hbm4b:s5+s2], $0x80, v3, vm0, $0xb8;
	[tilespmem:$0x10200] =	vst v63  }
0xea: {  	v3 =	vld [tilespmem:$0xD0];
	_ =	sdelay $0x4  }
0xeb: {  	v45 =	vshll.u32 v3, $0x2  }
0xec: {  	v3 =	vand.u32 $0x7, v3;
	v4 =	vand.u32 $0xFFFFFFE0, v45  }
0xed: {  	v3 =	vor.u32 v3, v4  }
0xee: {  	v4 =	vperm.xlane v3, v0;
	_ =	sdelay $0x1  }
0xef: {  	v4 =	vadd.s32 v1, v4;
	_ =	sdelay $0x1  }
0xf0: {  	v3 =	vperm.xlane v3, v2;
	_ =	sdelay $0x1  }
0xf1: {  	s3 =	simm.s32 $0xA200;
	v3 =	vadd.s32 v1, v3  }
0xf2: {  	[tilespmem:s3], [sflag:$0x2] =	stream.indirect_vreg.gather [hbm4b:s4+s2], $0x80, v4, vm0, $0xb8;
	[tilespmem:$0x10200] =	vst v63  }
0xf3: {  	s30 =	simm.s32 $0xAA00  }
0xf4: {  	[tilespmem:s30], [sflag:$0x2] =	stream.indirect_vreg.gather [hbm4b:s5+s2], $0x80, v4, vm0, $0xb8;
	[tilespmem:$0x10200] =	vst v63  }
0xf5: {  	s28 =	simm.s32 $0xB200  }
0xf6: {  	[tilespmem:s28], [sflag:$0x2] =	stream.indirect_vreg.gather [hbm4b:s4+s2], $0x80, v3, vm0, $0xb8;
	[tilespmem:$0x10200] =	vst v63  }
0xf7: {  	s21 =	simm.s32 $0xBA00  }
0xf8: {  	[tilespmem:s21], [sflag:$0x2] =	stream.indirect_vreg.gather [hbm4b:s5+s2], $0x80, v3, vm0, $0xb8;
	[tilespmem:$0x10200] =	vst v63  }
0xf9: {  	v3 =	vld [tilespmem:$0xE0];
	_ =	sdelay $0x4  }
0xfa: {  	v46 =	vshll.u32 v3, $0x2  }
0xfb: {  	v3 =	vand.u32 $0x7, v3;
	v4 =	vand.u32 $0xFFFFFFE0, v46  }
0xfc: {  	v3 =	vor.u32 v3, v4  }
0xfd: {  	v4 =	vperm.xlane v3, v0;
	_ =	sdelay $0x1  }
0xfe: {  	v4 =	vadd.s32 v1, v4;
	_ =	sdelay $0x1  }
0xff: {  	v3 =	vperm.xlane v3, v2;
	_ =	sdelay $0x1  }
0x100: {  	s29 =	simm.s32 $0xC200;
	v3 =	vadd.s32 v1, v3  }
0x101: {  	[tilespmem:s29], [sflag:$0x2] =	stream.indirect_vreg.gather [hbm4b:s4+s2], $0x80, v4, vm0, $0xb8;
	[tilespmem:$0x10200] =	vst v63  }
0x102: {  	s22 =	simm.s32 $0xCA00  }
0x103: {  	[tilespmem:s22], [sflag:$0x2] =	stream.indirect_vreg.gather [hbm4b:s5+s2], $0x80, v4, vm0, $0xb8;
	[tilespmem:$0x10200] =	vst v63  }
0x104: {  	s26 =	simm.s32 $0xD200  }
0x105: {  	[tilespmem:s26], [sflag:$0x2] =	stream.indirect_vreg.gather [hbm4b:s4+s2], $0x80, v3, vm0, $0xb8;
	[tilespmem:$0x10200] =	vst v63  }
0x106: {  	s19 =	simm.s32 $0xDA00  }
0x107: {  	[tilespmem:s19], [sflag:$0x2] =	stream.indirect_vreg.gather [hbm4b:s5+s2], $0x80, v3, vm0, $0xb8;
	[tilespmem:$0x10200] =	vst v63  }
0x108: {  	v3 =	vld [tilespmem:$0xF0];
	_ =	sdelay $0x4  }
0x109: {  	v47 =	vshll.u32 v3, $0x2  }
0x10a: {  	v3 =	vand.u32 $0x7, v3;
	v4 =	vand.u32 $0xFFFFFFE0, v47  }
0x10b: {  	v3 =	vor.u32 v3, v4  }
0x10c: {  	v4 =	vperm.xlane v3, v0;
	_ =	sdelay $0x1  }
0x10d: {  	v4 =	vadd.s32 v1, v4;
	_ =	sdelay $0x1  }
0x10e: {  	v3 =	vperm.xlane v3, v2;
	_ =	sdelay $0x1  }
0x10f: {  	s19 =	simm.s32 $0xE200;
	v3 =	vadd.s32 v1, v3  }
0x110: {  	[tilespmem:s19], [sflag:$0x2] =	stream.indirect_vreg.gather [hbm4b:s4+s2], $0x80, v4, vm0, $0xb8;
	[tilespmem:$0x10200] =	vst v63  }
0x111: {  	s26 =	simm.s32 $0xEA00  }
0x112: {  	[tilespmem:s26], [sflag:$0x2] =	stream.indirect_vreg.gather [hbm4b:s5+s2], $0x80, v4, vm0, $0xb8;
	[tilespmem:$0x10200] =	vst v63  }
0x113: {  	s29 =	simm.s32 $0xF200  }
0x114: {  	[tilespmem:s29], [sflag:$0x2] =	stream.indirect_vreg.gather [hbm4b:s4+s2], $0x80, v3, vm0, $0xb8;
	[tilespmem:$0x10200] =	vst v63  }
0x115: {  	s20 =	simm.s32 $0xFA00  }
0x116: {  	[tilespmem:s20], [sflag:$0x2] =	stream.indirect_vreg.gather [hbm4b:s5+s2], $0x80, v3, vm0, $0xb8;
	[tilespmem:$0x10200] =	vst v63  }
0x117: {  	_ =	swait.ge [sflag:s15], $0x8000  }
0x118: {  	[sflag:s15] =	ssyncset.done $0x0  }
0x119: {  	s20 =	rddreg [dreg:$0x7];
	[sflag:s15] =	ssyncadd.s32 $0xFFFF8000  }
0x11a: {  	[hbm4b:s20+s2] =	stream.linear.scatter [tilespmem:s25], [sflag:$0x4], $0x8000, $0x38;
	[tilespmem:$0x10200] =	vst v63  }
0x11b: {  	_ =	swait.ge [sflag:s16], $0x8000  }
0x11c: {  	[sflag:s16] =	ssyncset.done $0x0  }
0x11d: {  	[sflag:s16] =	ssyncadd.s32 $0xFFFF8000  }
0x11e: {  	v3 =	vld [tilespmem:$0x100];
	_ =	sdelay $0x4  }
0x11f: {  	v48 =	vshll.u32 v3, $0x2  }
0x120: {  	v3 =	vand.u32 $0x7, v3;
	v4 =	vand.u32 $0xFFFFFFE0, v48  }
0x121: {  	v3 =	vor.u32 v3, v4  }
0x122: {  	v4 =	vperm.xlane v3, v0;
	_ =	sdelay $0x1  }
0x123: {  	v4 =	vadd.s32 v1, v4;
	_ =	sdelay $0x1  }
0x124: {  	v3 =	vperm.xlane v3, v2;
	_ =	sdelay $0x1  }
0x125: {  	v3 =	vadd.s32 v1, v3  }
0x126: {  	[tilespmem:s31], [sflag:$0x1] =	stream.indirect_vreg.gather [hbm4b:s4+s2], $0x80, v4, vm0, $0xb8;
	[tilespmem:$0x10200] =	vst v63  }
0x127: {  	s20 =	simm.s32 $0xA00  }
0x128: {  	[tilespmem:s20], [sflag:$0x1] =	stream.indirect_vreg.gather [hbm4b:s5+s2], $0x80, v4, vm0, $0xb8;
	[tilespmem:$0x10200] =	vst v63  }
0x129: {  	_ = 	snop  }
0x12a: {  	[tilespmem:s8], [sflag:$0x1] =	stream.indirect_vreg.gather [hbm4b:s4+s2], $0x80, v3, vm0, $0xb8;
	[tilespmem:$0x10200] =	vst v63  }
0x12b: {  	s20 =	simm.s32 $0x1A00  }
0x12c: {  	[tilespmem:s20], [sflag:$0x1] =	stream.indirect_vreg.gather [hbm4b:s5+s2], $0x80, v3, vm0, $0xb8;
	[tilespmem:$0x10200] =	vst v63  }
0x12d: {  	v3 =	vld [tilespmem:$0x110];
	_ =	sdelay $0x4  }
0x12e: {  	v49 =	vshll.u32 v3, $0x2  }
0x12f: {  	v3 =	vand.u32 $0x7, v3;
	v4 =	vand.u32 $0xFFFFFFE0, v49  }
0x130: {  	v3 =	vor.u32 v3, v4  }
0x131: {  	v4 =	vperm.xlane v3, v0;
	_ =	sdelay $0x1  }
0x132: {  	v4 =	vadd.s32 v1, v4;
	_ =	sdelay $0x1  }
0x133: {  	v3 =	vperm.xlane v3, v2;
	_ =	sdelay $0x1  }
0x134: {  	v3 =	vadd.s32 v1, v3  }
0x135: {  	[tilespmem:s7], [sflag:$0x1] =	stream.indirect_vreg.gather [hbm4b:s4+s2], $0x80, v4, vm0, $0xb8;
	[tilespmem:$0x10200] =	vst v63  }
0x136: {  	s20 =	simm.s32 $0x2A00  }
0x137: {  	[tilespmem:s20], [sflag:$0x1] =	stream.indirect_vreg.gather [hbm4b:s5+s2], $0x80, v4, vm0, $0xb8;
	[tilespmem:$0x10200] =	vst v63  }
0x138: {  	s20 =	simm.s32 $0x3200  }
0x139: {  	[tilespmem:s20], [sflag:$0x1] =	stream.indirect_vreg.gather [hbm4b:s4+s2], $0x80, v3, vm0, $0xb8;
	[tilespmem:$0x10200] =	vst v63  }
0x13a: {  	s20 =	simm.s32 $0x3A00  }
0x13b: {  	[tilespmem:s20], [sflag:$0x1] =	stream.indirect_vreg.gather [hbm4b:s5+s2], $0x80, v3, vm0, $0xb8;
	[tilespmem:$0x10200] =	vst v63  }
0x13c: {  	v3 =	vld [tilespmem:$0x120];
	_ =	sdelay $0x4  }
0x13d: {  	v50 =	vshll.u32 v3, $0x2  }
0x13e: {  	v3 =	vand.u32 $0x7, v3;
	v4 =	vand.u32 $0xFFFFFFE0, v50  }
0x13f: {  	v3 =	vor.u32 v3, v4  }
0x140: {  	v4 =	vperm.xlane v3, v0;
	_ =	sdelay $0x1  }
0x141: {  	v4 =	vadd.s32 v1, v4;
	_ =	sdelay $0x1  }
0x142: {  	v3 =	vperm.xlane v3, v2;
	_ =	sdelay $0x1  }
0x143: {  	s20 =	simm.s32 $0x4200;
	v3 =	vadd.s32 v1, v3  }
0x144: {  	[tilespmem:s20], [sflag:$0x1] =	stream.indirect_vreg.gather [hbm4b:s4+s2], $0x80, v4, vm0, $0xb8;
	[tilespmem:$0x10200] =	vst v63  }
0x145: {  	_ = 	snop  }
0x146: {  	[tilespmem:s23], [sflag:$0x1] =	stream.indirect_vreg.gather [hbm4b:s5+s2], $0x80, v4, vm0, $0xb8;
	[tilespmem:$0x10200] =	vst v63  }
0x147: {  	_ = 	snop  }
0x148: {  	[tilespmem:s12], [sflag:$0x1] =	stream.indirect_vreg.gather [hbm4b:s4+s2], $0x80, v3, vm0, $0xb8;
	[tilespmem:$0x10200] =	vst v63  }
0x149: {  	_ = 	snop  }
0x14a: {  	[tilespmem:s13], [sflag:$0x1] =	stream.indirect_vreg.gather [hbm4b:s5+s2], $0x80, v3, vm0, $0xb8;
	[tilespmem:$0x10200] =	vst v63  }
0x14b: {  	v3 =	vld [tilespmem:$0x130];
	_ =	sdelay $0x4  }
0x14c: {  	v51 =	vshll.u32 v3, $0x2  }
0x14d: {  	v3 =	vand.u32 $0x7, v3;
	v4 =	vand.u32 $0xFFFFFFE0, v51  }
0x14e: {  	v3 =	vor.u32 v3, v4  }
0x14f: {  	v4 =	vperm.xlane v3, v0;
	_ =	sdelay $0x1  }
0x150: {  	v4 =	vadd.s32 v1, v4;
	_ =	sdelay $0x1  }
0x151: {  	v3 =	vperm.xlane v3, v2;
	_ =	sdelay $0x1  }
0x152: {  	v3 =	vadd.s32 v1, v3  }
0x153: {  	[tilespmem:s9], [sflag:$0x1] =	stream.indirect_vreg.gather [hbm4b:s4+s2], $0x80, v4, vm0, $0xb8;
	[tilespmem:$0x10200] =	vst v63  }
0x154: {  	_ = 	snop  }
0x155: {  	[tilespmem:s10], [sflag:$0x1] =	stream.indirect_vreg.gather [hbm4b:s5+s2], $0x80, v4, vm0, $0xb8;
	[tilespmem:$0x10200] =	vst v63  }
0x156: {  	_ = 	snop  }
0x157: {  	[tilespmem:s11], [sflag:$0x1] =	stream.indirect_vreg.gather [hbm4b:s4+s2], $0x80, v3, vm0, $0xb8;
	[tilespmem:$0x10200] =	vst v63  }
0x158: {  	_ = 	snop  }
0x159: {  	[tilespmem:s14], [sflag:$0x1] =	stream.indirect_vreg.gather [hbm4b:s5+s2], $0x80, v3, vm0, $0xb8;
	[tilespmem:$0x10200] =	vst v63  }
0x15a: {  	_ =	swait.ge [sflag:s24], $0x8000  }
0x15b: {  	[sflag:s24] =	ssyncset.done $0x0  }
0x15c: {  	s23 =	rddreg [dreg:$0x8];
	[sflag:s24] =	ssyncadd.s32 $0xFFFF8000  }
0x15d: {  	[hbm4b:s23+s2] =	stream.linear.scatter [tilespmem:s31], [sflag:$0x3], $0x8000, $0x38;
	[tilespmem:$0x10200] =	vst v63  }
0x15e: {  	_ =	swait.ge [sflag:s17], $0x8000  }
0x15f: {  	[sflag:s17] =	ssyncset.done $0x0  }
0x160: {  	[sflag:s17] =	ssyncadd.s32 $0xFFFF8000  }
0x161: {  	v3 =	vld [tilespmem:$0x140];
	_ =	sdelay $0x4  }
0x162: {  	v52 =	vshll.u32 v3, $0x2  }
0x163: {  	v3 =	vand.u32 $0x7, v3;
	v4 =	vand.u32 $0xFFFFFFE0, v52  }
0x164: {  	v3 =	vor.u32 v3, v4  }
0x165: {  	v4 =	vperm.xlane v3, v0;
	_ =	sdelay $0x1  }
0x166: {  	v4 =	vadd.s32 v1, v4;
	_ =	sdelay $0x1  }
0x167: {  	v3 =	vperm.xlane v3, v2;
	_ =	sdelay $0x1  }
0x168: {  	v3 =	vadd.s32 v1, v3  }
0x169: {  	[tilespmem:s25], [sflag:$0x2] =	stream.indirect_vreg.gather [hbm4b:s4+s2], $0x80, v4, vm0, $0xb8;
	[tilespmem:$0x10200] =	vst v63  }
0x16a: {  	_ = 	snop  }
0x16b: {  	[tilespmem:s0], [sflag:$0x2] =	stream.indirect_vreg.gather [hbm4b:s5+s2], $0x80, v4, vm0, $0xb8;
	[tilespmem:$0x10200] =	vst v63  }
0x16c: {  	_ = 	snop  }
0x16d: {  	[tilespmem:s1], [sflag:$0x2] =	stream.indirect_vreg.gather [hbm4b:s4+s2], $0x80, v3, vm0, $0xb8;
	[tilespmem:$0x10200] =	vst v63  }
0x16e: {  	s23 =	simm.s32 $0x9A00  }
0x16f: {  	[tilespmem:s23], [sflag:$0x2] =	stream.indirect_vreg.gather [hbm4b:s5+s2], $0x80, v3, vm0, $0xb8;
	[tilespmem:$0x10200] =	vst v63  }
0x170: {  	v3 =	vld [tilespmem:$0x150];
	_ =	sdelay $0x4  }
0x171: {  	v53 =	vshll.u32 v3, $0x2  }
0x172: {  	v3 =	vand.u32 $0x7, v3;
	v4 =	vand.u32 $0xFFFFFFE0, v53  }
0x173: {  	v3 =	vor.u32 v3, v4  }
0x174: {  	v4 =	vperm.xlane v3, v0;
	_ =	sdelay $0x1  }
0x175: {  	v4 =	vadd.s32 v1, v4;
	_ =	sdelay $0x1  }
0x176: {  	v3 =	vperm.xlane v3, v2;
	_ =	sdelay $0x1  }
0x177: {  	v3 =	vadd.s32 v1, v3  }
0x178: {  	[tilespmem:s3], [sflag:$0x2] =	stream.indirect_vreg.gather [hbm4b:s4+s2], $0x80, v4, vm0, $0xb8;
	[tilespmem:$0x10200] =	vst v63  }
0x179: {  	s30 =	simm.s32 $0xAA00  }
0x17a: {  	[tilespmem:s30], [sflag:$0x2] =	stream.indirect_vreg.gather [hbm4b:s5+s2], $0x80, v4, vm0, $0xb8;
	[tilespmem:$0x10200] =	vst v63  }
0x17b: {  	s28 =	simm.s32 $0xB200  }
0x17c: {  	[tilespmem:s28], [sflag:$0x2] =	stream.indirect_vreg.gather [hbm4b:s4+s2], $0x80, v3, vm0, $0xb8;
	[tilespmem:$0x10200] =	vst v63  }
0x17d: {  	s28 =	simm.s32 $0xBA00  }
0x17e: {  	[tilespmem:s28], [sflag:$0x2] =	stream.indirect_vreg.gather [hbm4b:s5+s2], $0x80, v3, vm0, $0xb8;
	[tilespmem:$0x10200] =	vst v63  }
0x17f: {  	v3 =	vld [tilespmem:$0x160];
	_ =	sdelay $0x4  }
0x180: {  	v54 =	vshll.u32 v3, $0x2  }
0x181: {  	v3 =	vand.u32 $0x7, v3;
	v4 =	vand.u32 $0xFFFFFFE0, v54  }
0x182: {  	v3 =	vor.u32 v3, v4  }
0x183: {  	v4 =	vperm.xlane v3, v0;
	_ =	sdelay $0x1  }
0x184: {  	v4 =	vadd.s32 v1, v4;
	_ =	sdelay $0x1  }
0x185: {  	v3 =	vperm.xlane v3, v2;
	_ =	sdelay $0x1  }
0x186: {  	s21 =	simm.s32 $0xC200;
	v3 =	vadd.s32 v1, v3  }
0x187: {  	[tilespmem:s21], [sflag:$0x2] =	stream.indirect_vreg.gather [hbm4b:s4+s2], $0x80, v4, vm0, $0xb8;
	[tilespmem:$0x10200] =	vst v63  }
0x188: {  	s22 =	simm.s32 $0xCA00  }
0x189: {  	[tilespmem:s22], [sflag:$0x2] =	stream.indirect_vreg.gather [hbm4b:s5+s2], $0x80, v4, vm0, $0xb8;
	[tilespmem:$0x10200] =	vst v63  }
0x18a: {  	s22 =	simm.s32 $0xD200  }
0x18b: {  	[tilespmem:s22], [sflag:$0x2] =	stream.indirect_vreg.gather [hbm4b:s4+s2], $0x80, v3, vm0, $0xb8;
	[tilespmem:$0x10200] =	vst v63  }
0x18c: {  	s22 =	simm.s32 $0xDA00  }
0x18d: {  	[tilespmem:s22], [sflag:$0x2] =	stream.indirect_vreg.gather [hbm4b:s5+s2], $0x80, v3, vm0, $0xb8;
	[tilespmem:$0x10200] =	vst v63  }
0x18e: {  	v3 =	vld [tilespmem:$0x170];
	_ =	sdelay $0x4  }
0x18f: {  	v55 =	vshll.u32 v3, $0x2  }
0x190: {  	v3 =	vand.u32 $0x7, v3;
	v4 =	vand.u32 $0xFFFFFFE0, v55  }
0x191: {  	v3 =	vor.u32 v3, v4  }
0x192: {  	v4 =	vperm.xlane v3, v0;
	_ =	sdelay $0x1  }
0x193: {  	v4 =	vadd.s32 v1, v4;
	_ =	sdelay $0x1  }
0x194: {  	v3 =	vperm.xlane v3, v2;
	_ =	sdelay $0x1  }
0x195: {  	s19 =	simm.s32 $0xE200;
	v3 =	vadd.s32 v1, v3  }
0x196: {  	[tilespmem:s19], [sflag:$0x2] =	stream.indirect_vreg.gather [hbm4b:s4+s2], $0x80, v4, vm0, $0xb8;
	[tilespmem:$0x10200] =	vst v63  }
0x197: {  	s26 =	simm.s32 $0xEA00  }
0x198: {  	[tilespmem:s26], [sflag:$0x2] =	stream.indirect_vreg.gather [hbm4b:s5+s2], $0x80, v4, vm0, $0xb8;
	[tilespmem:$0x10200] =	vst v63  }
0x199: {  	s29 =	simm.s32 $0xF200  }
0x19a: {  	[tilespmem:s29], [sflag:$0x2] =	stream.indirect_vreg.gather [hbm4b:s4+s2], $0x80, v3, vm0, $0xb8;
	[tilespmem:$0x10200] =	vst v63  }
0x19b: {  	s29 =	simm.s32 $0xFA00  }
0x19c: {  	[tilespmem:s29], [sflag:$0x2] =	stream.indirect_vreg.gather [hbm4b:s5+s2], $0x80, v3, vm0, $0xb8;
	[tilespmem:$0x10200] =	vst v63  }
0x19d: {  	_ =	swait.ge [sflag:s15], $0x8000  }
0x19e: {  	[sflag:s15] =	ssyncset.done $0x0  }
0x19f: {  	s18 =	rddreg [dreg:$0x9];
	[sflag:s15] =	ssyncadd.s32 $0xFFFF8000  }
0x1a0: {  	[hbm4b:s18+s2] =	stream.linear.scatter [tilespmem:s25], [sflag:$0x4], $0x8000, $0x38;
	[tilespmem:$0x10200] =	vst v63  }
0x1a1: {  	_ =	swait.ge [sflag:s16], $0x8000  }
0x1a2: {  	[sflag:s16] =	ssyncset.done $0x0  }
0x1a3: {  	[sflag:s16] =	ssyncadd.s32 $0xFFFF8000  }
0x1a4: {  	v3 =	vld [tilespmem:$0x180];
	_ =	sdelay $0x4  }
0x1a5: {  	v56 =	vshll.u32 v3, $0x2  }
0x1a6: {  	v3 =	vand.u32 $0x7, v3;
	v4 =	vand.u32 $0xFFFFFFE0, v56  }
0x1a7: {  	v3 =	vor.u32 v3, v4  }
0x1a8: {  	v4 =	vperm.xlane v3, v0;
	_ =	sdelay $0x1  }
0x1a9: {  	v4 =	vadd.s32 v1, v4;
	_ =	sdelay $0x1  }
0x1aa: {  	v3 =	vperm.xlane v3, v2;
	_ =	sdelay $0x1  }
0x1ab: {  	v3 =	vadd.s32 v1, v3  }
0x1ac: {  	[tilespmem:s31], [sflag:$0x1] =	stream.indirect_vreg.gather [hbm4b:s4+s2], $0x80, v4, vm0, $0xb8;
	[tilespmem:$0x10200] =	vst v63  }
0x1ad: {  	s18 =	simm.s32 $0xA00  }
0x1ae: {  	[tilespmem:s18], [sflag:$0x1] =	stream.indirect_vreg.gather [hbm4b:s5+s2], $0x80, v4, vm0, $0xb8;
	[tilespmem:$0x10200] =	vst v63  }
0x1af: {  	s8 =	simm.s32 $0x1200  }
0x1b0: {  	[tilespmem:s8], [sflag:$0x1] =	stream.indirect_vreg.gather [hbm4b:s4+s2], $0x80, v3, vm0, $0xb8;
	[tilespmem:$0x10200] =	vst v63  }
0x1b1: {  	s18 =	simm.s32 $0x1A00  }
0x1b2: {  	[tilespmem:s18], [sflag:$0x1] =	stream.indirect_vreg.gather [hbm4b:s5+s2], $0x80, v3, vm0, $0xb8;
	[tilespmem:$0x10200] =	vst v63  }
0x1b3: {  	v3 =	vld [tilespmem:$0x190];
	_ =	sdelay $0x4  }
0x1b4: {  	v57 =	vshll.u32 v3, $0x2  }
0x1b5: {  	v3 =	vand.u32 $0x7, v3;
	v4 =	vand.u32 $0xFFFFFFE0, v57  }
0x1b6: {  	v3 =	vor.u32 v3, v4  }
0x1b7: {  	v4 =	vperm.xlane v3, v0;
	_ =	sdelay $0x1  }
0x1b8: {  	v4 =	vadd.s32 v1, v4;
	_ =	sdelay $0x1  }
0x1b9: {  	v3 =	vperm.xlane v3, v2;
	_ =	sdelay $0x1  }
0x1ba: {  	s7 =	simm.s32 $0x2200;
	v3 =	vadd.s32 v1, v3  }
0x1bb: {  	[tilespmem:s7], [sflag:$0x1] =	stream.indirect_vreg.gather [hbm4b:s4+s2], $0x80, v4, vm0, $0xb8;
	[tilespmem:$0x10200] =	vst v63  }
0x1bc: {  	s18 =	simm.s32 $0x2A00  }
0x1bd: {  	[tilespmem:s18], [sflag:$0x1] =	stream.indirect_vreg.gather [hbm4b:s5+s2], $0x80, v4, vm0, $0xb8;
	[tilespmem:$0x10200] =	vst v63  }
0x1be: {  	s8 =	simm.s32 $0x3200  }
0x1bf: {  	[tilespmem:s8], [sflag:$0x1] =	stream.indirect_vreg.gather [hbm4b:s4+s2], $0x80, v3, vm0, $0xb8;
	[tilespmem:$0x10200] =	vst v63  }
0x1c0: {  	s18 =	simm.s32 $0x3A00  }
0x1c1: {  	[tilespmem:s18], [sflag:$0x1] =	stream.indirect_vreg.gather [hbm4b:s5+s2], $0x80, v3, vm0, $0xb8;
	[tilespmem:$0x10200] =	vst v63  }
0x1c2: {  	v3 =	vld [tilespmem:$0x1A0];
	_ =	sdelay $0x4  }
0x1c3: {  	v58 =	vshll.u32 v3, $0x2  }
0x1c4: {  	v3 =	vand.u32 $0x7, v3;
	v4 =	vand.u32 $0xFFFFFFE0, v58  }
0x1c5: {  	v3 =	vor.u32 v3, v4  }
0x1c6: {  	v4 =	vperm.xlane v3, v0;
	_ =	sdelay $0x1  }
0x1c7: {  	v4 =	vadd.s32 v1, v4;
	_ =	sdelay $0x1  }
0x1c8: {  	v3 =	vperm.xlane v3, v2;
	_ =	sdelay $0x1  }
0x1c9: {  	s8 =	simm.s32 $0x4200;
	v3 =	vadd.s32 v1, v3  }
0x1ca: {  	[tilespmem:s8], [sflag:$0x1] =	stream.indirect_vreg.gather [hbm4b:s4+s2], $0x80, v4, vm0, $0xb8;
	[tilespmem:$0x10200] =	vst v63  }
0x1cb: {  	s20 =	simm.s32 $0x4A00  }
0x1cc: {  	[tilespmem:s20], [sflag:$0x1] =	stream.indirect_vreg.gather [hbm4b:s5+s2], $0x80, v4, vm0, $0xb8;
	[tilespmem:$0x10200] =	vst v63  }
0x1cd: {  	s12 =	simm.s32 $0x5200  }
0x1ce: {  	[tilespmem:s12], [sflag:$0x1] =	stream.indirect_vreg.gather [hbm4b:s4+s2], $0x80, v3, vm0, $0xb8;
	[tilespmem:$0x10200] =	vst v63  }
0x1cf: {  	s13 =	simm.s32 $0x5A00  }
0x1d0: {  	[tilespmem:s13], [sflag:$0x1] =	stream.indirect_vreg.gather [hbm4b:s5+s2], $0x80, v3, vm0, $0xb8;
	[tilespmem:$0x10200] =	vst v63  }
0x1d1: {  	v3 =	vld [tilespmem:$0x1B0];
	_ =	sdelay $0x4  }
0x1d2: {  	v59 =	vshll.u32 v3, $0x2  }
0x1d3: {  	v3 =	vand.u32 $0x7, v3;
	v4 =	vand.u32 $0xFFFFFFE0, v59  }
0x1d4: {  	v3 =	vor.u32 v3, v4  }
0x1d5: {  	v4 =	vperm.xlane v3, v0;
	_ =	sdelay $0x1  }
0x1d6: {  	v4 =	vadd.s32 v1, v4;
	_ =	sdelay $0x1  }
0x1d7: {  	v3 =	vperm.xlane v3, v2;
	_ =	sdelay $0x1  }
0x1d8: {  	s9 =	simm.s32 $0x6200;
	v3 =	vadd.s32 v1, v3  }
0x1d9: {  	[tilespmem:s9], [sflag:$0x1] =	stream.indirect_vreg.gather [hbm4b:s4+s2], $0x80, v4, vm0, $0xb8;
	[tilespmem:$0x10200] =	vst v63  }
0x1da: {  	s10 =	simm.s32 $0x6A00  }
0x1db: {  	[tilespmem:s10], [sflag:$0x1] =	stream.indirect_vreg.gather [hbm4b:s5+s2], $0x80, v4, vm0, $0xb8;
	[tilespmem:$0x10200] =	vst v63  }
0x1dc: {  	s11 =	simm.s32 $0x7200  }
0x1dd: {  	[tilespmem:s11], [sflag:$0x1] =	stream.indirect_vreg.gather [hbm4b:s4+s2], $0x80, v3, vm0, $0xb8;
	[tilespmem:$0x10200] =	vst v63  }
0x1de: {  	s14 =	simm.s32 $0x7A00  }
0x1df: {  	[tilespmem:s14], [sflag:$0x1] =	stream.indirect_vreg.gather [hbm4b:s5+s2], $0x80, v3, vm0, $0xb8;
	[tilespmem:$0x10200] =	vst v63  }
0x1e0: {  	_ =	swait.ge [sflag:s24], $0x8000  }
0x1e1: {  	[sflag:s24] =	ssyncset.done $0x0  }
0x1e2: {  	s14 =	rddreg [dreg:$0xa];
	[sflag:s24] =	ssyncadd.s32 $0xFFFF8000  }
0x1e3: {  	[hbm4b:s14+s2] =	stream.linear.scatter [tilespmem:s31], [sflag:$0x3], $0x8000, $0x38;
	[tilespmem:$0x10200] =	vst v63  }
0x1e4: {  	_ =	swait.ge [sflag:s17], $0x8000  }
0x1e5: {  	[sflag:s17] =	ssyncset.done $0x0  }
0x1e6: {  	[sflag:s17] =	ssyncadd.s32 $0xFFFF8000  }
0x1e7: {  	v3 =	vld [tilespmem:$0x1C0];
	_ =	sdelay $0x4  }
0x1e8: {  	v60 =	vshll.u32 v3, $0x2  }
0x1e9: {  	v3 =	vand.u32 $0x7, v3;
	v4 =	vand.u32 $0xFFFFFFE0, v60  }
0x1ea: {  	v3 =	vor.u32 v3, v4  }
0x1eb: {  	v4 =	vperm.xlane v3, v0;
	_ =	sdelay $0x1  }
0x1ec: {  	v4 =	vadd.s32 v1, v4;
	_ =	sdelay $0x1  }
0x1ed: {  	v3 =	vperm.xlane v3, v2;
	_ =	sdelay $0x1  }
0x1ee: {  	v3 =	vadd.s32 v1, v3  }
0x1ef: {  	[tilespmem:s25], [sflag:$0x2] =	stream.indirect_vreg.gather [hbm4b:s4+s2], $0x80, v4, vm0, $0xb8;
	[tilespmem:$0x10200] =	vst v63  }
0x1f0: {  	s0 =	simm.s32 $0x8A00  }
0x1f1: {  	[tilespmem:s0], [sflag:$0x2] =	stream.indirect_vreg.gather [hbm4b:s5+s2], $0x80, v4, vm0, $0xb8;
	[tilespmem:$0x10200] =	vst v63  }
0x1f2: {  	s1 =	simm.s32 $0x9200  }
0x1f3: {  	[tilespmem:s1], [sflag:$0x2] =	stream.indirect_vreg.gather [hbm4b:s4+s2], $0x80, v3, vm0, $0xb8;
	[tilespmem:$0x10200] =	vst v63  }
0x1f4: {  	s18 =	simm.s32 $0x9A00  }
0x1f5: {  	[tilespmem:s18], [sflag:$0x2] =	stream.indirect_vreg.gather [hbm4b:s5+s2], $0x80, v3, vm0, $0xb8;
	[tilespmem:$0x10200] =	vst v63  }
0x1f6: {  	v3 =	vld [tilespmem:$0x1D0];
	_ =	sdelay $0x4  }
0x1f7: {  	v61 =	vshll.u32 v3, $0x2  }
0x1f8: {  	v3 =	vand.u32 $0x7, v3;
	v4 =	vand.u32 $0xFFFFFFE0, v61  }
0x1f9: {  	v3 =	vor.u32 v3, v4  }
0x1fa: {  	v4 =	vperm.xlane v3, v0;
	_ =	sdelay $0x1  }
0x1fb: {  	v4 =	vadd.s32 v1, v4;
	_ =	sdelay $0x1  }
0x1fc: {  	v3 =	vperm.xlane v3, v2;
	_ =	sdelay $0x1  }
0x1fd: {  	s3 =	simm.s32 $0xA200;
	v3 =	vadd.s32 v1, v3  }
0x1fe: {  	[tilespmem:s3], [sflag:$0x2] =	stream.indirect_vreg.gather [hbm4b:s4+s2], $0x80, v4, vm0, $0xb8;
	[tilespmem:$0x10200] =	vst v63  }
0x1ff: {  	s30 =	simm.s32 $0xAA00  }
0x200: {  	[tilespmem:s30], [sflag:$0x2] =	stream.indirect_vreg.gather [hbm4b:s5+s2], $0x80, v4, vm0, $0xb8;
	[tilespmem:$0x10200] =	vst v63  }
0x201: {  	s23 =	simm.s32 $0xB200  }
0x202: {  	[tilespmem:s23], [sflag:$0x2] =	stream.indirect_vreg.gather [hbm4b:s4+s2], $0x80, v3, vm0, $0xb8;
	[tilespmem:$0x10200] =	vst v63  }
0x203: {  	s20 =	simm.s32 $0xBA00  }
0x204: {  	[tilespmem:s20], [sflag:$0x2] =	stream.indirect_vreg.gather [hbm4b:s5+s2], $0x80, v3, vm0, $0xb8;
	[tilespmem:$0x10200] =	vst v63  }
0x205: {  	v3 =	vld [tilespmem:$0x1E0];
	_ =	sdelay $0x4  }
0x206: {  	v62 =	vshll.u32 v3, $0x2  }
0x207: {  	v3 =	vand.u32 $0x7, v3;
	v4 =	vand.u32 $0xFFFFFFE0, v62  }
0x208: {  	v3 =	vor.u32 v3, v4  }
0x209: {  	v4 =	vperm.xlane v3, v0;
	_ =	sdelay $0x1  }
0x20a: {  	v4 =	vadd.s32 v1, v4;
	_ =	sdelay $0x1  }
0x20b: {  	v3 =	vperm.xlane v3, v2;
	_ =	sdelay $0x1  }
0x20c: {  	s28 =	simm.s32 $0xC200;
	v3 =	vadd.s32 v1, v3  }
0x20d: {  	[tilespmem:s28], [sflag:$0x2] =	stream.indirect_vreg.gather [hbm4b:s4+s2], $0x80, v4, vm0, $0xb8;
	[tilespmem:$0x10200] =	vst v63  }
0x20e: {  	s21 =	simm.s32 $0xCA00  }
0x20f: {  	[tilespmem:s21], [sflag:$0x2] =	stream.indirect_vreg.gather [hbm4b:s5+s2], $0x80, v4, vm0, $0xb8;
	[tilespmem:$0x10200] =	vst v63  }
0x210: {  	s23 =	simm.s32 $0xD200  }
0x211: {  	[tilespmem:s23], [sflag:$0x2] =	stream.indirect_vreg.gather [hbm4b:s4+s2], $0x80, v3, vm0, $0xb8;
	[tilespmem:$0x10200] =	vst v63  }
0x212: {  	s28 =	simm.s32 $0xDA00  }
0x213: {  	[tilespmem:s28], [sflag:$0x2] =	stream.indirect_vreg.gather [hbm4b:s5+s2], $0x80, v3, vm0, $0xb8;
	[tilespmem:$0x10200] =	vst v63  }
0x214: {  	v3 =	vld [tilespmem:$0x1F0];
	_ =	sdelay $0x4  }
0x215: {  	v63 =	vshll.u32 v3, $0x2  }
0x216: {  	v3 =	vand.u32 $0x7, v3;
	v4 =	vand.u32 $0xFFFFFFE0, v63  }
0x217: {  	v3 =	vor.u32 v3, v4  }
0x218: {  	v4 =	vperm.xlane v3, v0;
	_ =	sdelay $0x1  }
0x219: {  	v4 =	vadd.s32 v1, v4;
	_ =	sdelay $0x1  }
0x21a: {  	v3 =	vperm.xlane v3, v2;
	_ =	sdelay $0x1  }
0x21b: {  	s22 =	simm.s32 $0xE200;
	v3 =	vadd.s32 v1, v3  }
0x21c: {  	[tilespmem:s22], [sflag:$0x2] =	stream.indirect_vreg.gather [hbm4b:s4+s2], $0x80, v4, vm0, $0xb8;
	[tilespmem:$0x10200] =	vst v63  }
0x21d: {  	s19 =	simm.s32 $0xEA00  }
0x21e: {  	[tilespmem:s19], [sflag:$0x2] =	stream.indirect_vreg.gather [hbm4b:s5+s2], $0x80, v4, vm0, $0xb8;
	[tilespmem:$0x10200] =	vst v63  }
0x21f: {  	s26 =	simm.s32 $0xF200  }
0x220: {  	[tilespmem:s26], [sflag:$0x2] =	stream.indirect_vreg.gather [hbm4b:s4+s2], $0x80, v3, vm0, $0xb8;
	[tilespmem:$0x10200] =	vst v63  }
0x221: {  	s29 =	simm.s32 $0xFA00  }
0x222: {  	[tilespmem:s29], [sflag:$0x2] =	stream.indirect_vreg.gather [hbm4b:s5+s2], $0x80, v3, vm0, $0xb8;
	[tilespmem:$0x10200] =	vst v63  }
0x223: {  	_ =	swait.ge [sflag:s15], $0x8000  }
0x224: {  	[sflag:s15] =	ssyncset.done $0x0  }
0x225: {  	s30 =	rddreg [dreg:$0xb];
	[sflag:s15] =	ssyncadd.s32 $0xFFFF8000  }
0x226: {  	[hbm4b:s30+s2] =	stream.linear.scatter [tilespmem:s25], [sflag:$0x4], $0x8000, $0x38;
	[tilespmem:$0x10200] =	vst v63  }
0x227: {  	p0 =	sne.s32 s6, $0x1;
	_ =	swait.ge [sflag:s16], $0x8000  }
.Ltmp0:
0x228: {  	[sflag:s16] =	ssyncset.done $0x0;
	(pc) =	sbr.rel @p0 .LBB2_1-.Ltmp0, $4  }
0x229: {  	[sflag:s16] =	ssyncadd.s32 $0xFFFF8000  }
0x22a: {  	_ =	swait.ge [sflag:s17], $0x8000  }
0x22b: {  	[sflag:s17] =	ssyncset.done $0x0  }
0x22c: {  	s6 =	sadd.s32 $0xFFFFFFFF, s6;
	[sflag:s17] =	ssyncadd.s32 $0xFFFF8000  }
0x22d: {  	_ =	sfence.sel $0x180000  }
0x22e: {  	[bflag:$0x0] =	sbarrier.arrive $0xFFFF  }
0x22f: {  	_ =	strace $0x90000047  }
0x230: {  	s0 =	stileid.u32;
	[bflag:$0x2] =	sbarrier.arrive $0xFFFF  }
0x231: {  	p0 =	sne.s32 s0, $0x0;
	s0 =	rddreg [dreg:$0x3]  }
0x232: {  	s0 =	sadd.s32 @!p0 $0x100000, s0  }
0x233: {  	[sflag:s0] =	ssyncadd.tile.s32 @!p0 $0x1;
	_ =	shalt  }
.Lfunc_end2:
_tile_overlayer_lowered:
.L_overlay_start_2:
0x234: {  	(tag) =	ssettag $0x2  }
0x235: {  	s0 =	rddreg [dreg:$0x0];
	s2 =	stileid.u32  }
0x236: {  	s1 =	rddreg [dreg:$0x1];
	p0 =	sne.s32 s2, $0x0  }
0x237: {  	s3 =	rddreg [dreg:$0x2];
	[bflag:$0x3] =	sbarrier.arrive $0xFFFF;
	s2 =	simm.s32 @!p0 $0x1C05  }
0x238: {  	[timem:s3], [sflag:s2] =	dma.local @!p0 [hbm:s0], s1  }
0x239: {  	s0 =	simm.s32 @!p0 $0x5  }
0x23a: {  	_ =	swait.ge @!p0 [sflag:s0], s1  }
0x23b: {  	s1 =	ssub.s32 @!p0 $0x0, s1;
	[sflag:s0] =	ssyncset.done @!p0 $0x0  }
0x23c: {  	[sflag:s0] =	ssyncadd.s32 @!p0 s1  }
0x23d: {  	[bflag:$0x3] =	sbarrier.arrive $0xFFFF  }
0x23e: {  	_ =	shalt  }

</sc_bundles>
